<compile_context>
chip_gen: v7x
topology: tpu7x:2x2x1
jax: 0.10.2.dev20260603
libtpu: 0.0.44.dev20260713+nightly
codegen_flags: <defaults>
</compile_context>

<pallas_src>
import functools

import jax
import jax.numpy as jnp
from jax import lax
from jax.experimental import pallas as pl
from jax.experimental.pallas import tpu as pltpu
from jax.experimental.pallas import tpu_sc as plsc

_ROWS = 16384
_COLS = 4096
_NW = 32
_RPW = _ROWS // _NW
_RC = 8
_CHUNKS = _RPW // _RC
_WC = _COLS // 4

_mesh = plsc.VectorSubcoreMesh(core_axis_name="c", subcore_axis_name="s")


@functools.partial(
    pl.kernel,
    out_type=[
        jax.ShapeDtypeStruct((_NW, 16), jnp.float32),
        jax.ShapeDtypeStruct((_NW, 16), jnp.float32),
    ],
    mesh=_mesh,
    compiler_params=pltpu.CompilerParams(needs_layout_passes=False),
    scratch_types=[
        pltpu.VMEM((_RC, _COLS), jnp.float32),
        pltpu.VMEM((_RC, _COLS), jnp.float32),
        pltpu.VMEM((_RC // 4, _COLS), jnp.int32),
        pltpu.VMEM((_RC // 4, _COLS), jnp.int32),
        pltpu.VMEM((16,), jnp.float32),
        pltpu.VMEM((16,), jnp.float32),
        pltpu.SemaphoreType.DMA,
        pltpu.SemaphoreType.DMA,
        pltpu.SemaphoreType.DMA,
        pltpu.SemaphoreType.DMA,
    ],
)
def _sc_masked_sum(x_hbm, m_hbm, sum_hbm, cnt_hbm,
                   xbuf0, xbuf1, mbuf0, mbuf1, sbuf, cbuf,
                   semx0, semx1, semm0, semm1):
    wid = lax.axis_index("s") * 2 + lax.axis_index("c")
    row0 = wid * _RPW
    m32_hbm = m_hbm.bitcast(jnp.int32)
    xbufs = (xbuf0, xbuf1)
    mbufs = (mbuf0, mbuf1)
    semxs = (semx0, semx1)
    semms = (semm0, semm1)

    def start_dma(kk, p):
        row = row0 + kk * _RC
        wrow = pl.multiple_of(row // 4, 2)
        pltpu.async_copy(x_hbm.at[pl.ds(row, _RC)], xbufs[p], semxs[p])
        pltpu.async_copy(m32_hbm.at[pl.ds(wrow, _RC // 4)],
                         mbufs[p], semms[p])

    def wait_dma(kk, p):
        row = row0 + kk * _RC
        wrow = pl.multiple_of(row // 4, 2)
        pltpu.make_async_copy(x_hbm.at[pl.ds(row, _RC)], xbufs[p],
                              semxs[p]).wait()
        pltpu.make_async_copy(m32_hbm.at[pl.ds(wrow, _RC // 4)],
                              mbufs[p], semms[p]).wait()

    def compute(xb, mb, carry):
        a0, a1, a2, a3, cnt32 = carry
        for wr in range(_RC // 4):
            r4 = 4 * wr
            for half in range(2):

                def g_body(q, c, wr=wr, r4=r4, half=half):
                    b0, b1, b2, b3, pc = c
                    col = half * 2048 + q * 16
                    for dc in (0, 1024):
                        mw = mb[wr, pl.ds(col + dc, 16)]
                        b0 = b0 + jnp.where((mw & 0x1) != 0,
                                            xb[r4, pl.ds(col + dc, 16)], 0.0)
                        b1 = b1 + jnp.where((mw & 0x100) != 0,
                                            xb[r4 + 1, pl.ds(col + dc, 16)],
                                            0.0)
                        b2 = b2 + jnp.where((mw & 0x10000) != 0,
                                            xb[r4 + 2, pl.ds(col + dc, 16)],
                                            0.0)
                        b3 = b3 + jnp.where((mw & 0x1000000) != 0,
                                            xb[r4 + 3, pl.ds(col + dc, 16)],
                                            0.0)
                        pc = pc + (mw & 0x01010101)
                    return b0, b1, b2, b3, pc

                a0, a1, a2, a3, pc = lax.fori_loop(
                    0, 64, g_body,
                    (a0, a1, a2, a3, jnp.zeros((16,), jnp.int32)))
                cnt32 = (cnt32 + (pc & 0xFF) + ((pc >> 8) & 0xFF)
                         + ((pc >> 16) & 0xFF) + ((pc >> 24) & 0xFF))
        return a0, a1, a2, a3, cnt32

    for p in range(2):
        start_dma(p, p)

    def pair_body(k2, carry):
        for p in range(2):
            kk = k2 * 2 + p
            wait_dma(kk, p)
            carry = compute(xbufs[p], mbufs[p], carry)

            @pl.when(kk + 2 < _CHUNKS)
            def _(kk=kk, p=p):
                start_dma(kk + 2, p)

        return carry

    zero = jnp.zeros((16,), jnp.float32)
    zi = jnp.zeros((16,), jnp.int32)
    a0, a1, a2, a3, cnt32 = lax.fori_loop(
        0, _CHUNKS // 2, pair_body, (zero, zero, zero, zero, zi))
    sbuf[...] = a0 + a1 + a2 + a3
    cbuf[...] = cnt32.astype(jnp.float32)
    pltpu.sync_copy(sbuf, sum_hbm.at[wid])
    pltpu.sync_copy(cbuf, cnt_hbm.at[wid])


def kernel(input, data_mask):
    s, c = _sc_masked_sum(input, data_mask.view(jnp.int8))
    return jnp.sum(s) / jnp.sum(c)

# --- scband reference (transcript-rebuilt; emitter-appended) ---
"""Pipeline reference for scband-masked-mean-20057497272642 (READ-ONLY COPY).

The authoritative reference and input builder live on the scoring server;
editing this copy changes nothing except your own understanding.
"""

import jax, jax.numpy as jnp
import numpy as np


def setup_inputs(seed: int = 0) -> dict:
    key = jax.random.key(seed)
    k1, k2 = jax.random.split(key)
    inp = jax.random.normal(k1, (16384, 4096), dtype=jnp.float32)
    data_mask = jax.random.randint(k2, (16384, 4096), 0, 2).astype(jnp.bool_)
    return {"input": inp, "data_mask": data_mask}


def reference(input, data_mask):
    # torch: input.masked_select(data_mask).mean()
    # Equivalent dense formulation: sum of masked elements / number of True entries.
    masked_sum = jnp.sum(jnp.where(data_mask, input, jnp.zeros_like(input)))
    count = jnp.sum(data_mask.astype(jnp.float32))
    return masked_sum / count

if __name__ == "__main__":
    import jax
    _d = setup_inputs()
    print(jax.jit(kernel)(*tuple(_d.values())))

</pallas_src>

<mosaic_0001>
#map = affine_map<(d0, d1) -> (0, 0)>
module attributes {stable_mosaic.version = 14 : i64} {
  func.func @_sc_masked_sum(%arg0: i32, %arg1: i32, %arg2: memref<16384x4096xf32, #tpu.memory_space<hbm>>, %arg3: memref<16384x4096xi8, #tpu.memory_space<hbm>>, %arg4: memref<32x16xf32, #tpu.memory_space<hbm>>, %arg5: memref<32x16xf32, #tpu.memory_space<hbm>>, %arg6: memref<8x4096xf32, #tpu.memory_space<vmem>>, %arg7: memref<8x4096xf32, #tpu.memory_space<vmem>>, %arg8: memref<2x4096xi32, #tpu.memory_space<vmem>>, %arg9: memref<2x4096xi32, #tpu.memory_space<vmem>>, %arg10: memref<16xf32, #tpu.memory_space<vmem>>, %arg11: memref<16xf32, #tpu.memory_space<vmem>>, %arg12: memref<!tpu.dma_semaphore, #tpu.memory_space<semaphore_mem>>, %arg13: memref<!tpu.dma_semaphore, #tpu.memory_space<semaphore_mem>>, %arg14: memref<!tpu.dma_semaphore, #tpu.memory_space<semaphore_mem>>, %arg15: memref<!tpu.dma_semaphore, #tpu.memory_space<semaphore_mem>>) attributes {dimension_semantics = [#tpu.dimension_semantics<core_parallel>, #tpu.dimension_semantics<subcore_parallel>], iteration_bounds = array<i64: 2, 16>, scalar_prefetch = 0 : i64, scratch_operands = 10 : i64, tpu.core_type = #tpu.core_type<sc_vector_subcore>, window_params = [{transform_indices = #map}, {transform_indices = #map}, {transform_indices = #map}, {transform_indices = #map}]} {
    %mul3A = arith.constant 2 : i32
    %mul3A_0 = arith.muli %arg1, %mul3A : i32
    %add3A = arith.addi %mul3A_0, %arg0 : i32
    %mul3A_1 = arith.constant 512 : i32
    %mul3A_2 = arith.muli %add3A, %mul3A_1 : i32
    %add3A_3 = arith.constant 0 : i32
    %add3A_4 = arith.addi %mul3A_2, %add3A_3 : i32
    %jit3A = arith.constant 4 : i32
    %div3A = arith.divsi %add3A_4, %jit3A : i32
    %sign3A = arith.constant 0 : i32
    %sign3A_5 = arith.cmpi sgt, %add3A_4, %sign3A : i32
    %sign3A_6 = arith.extui %sign3A_5 : i1 to i32
    %sign3A_7 = arith.constant 0 : i32
    %sign3A_8 = arith.cmpi slt, %add3A_4, %sign3A_7 : i32
    %sign3A_9 = arith.extui %sign3A_8 : i1 to i32
    %sign3A_10 = arith.subi %sign3A_6, %sign3A_9 : i32
    %sign3A_11 = arith.constant 0 : i32
    %sign3A_12 = arith.cmpi sgt, %jit3A, %sign3A_11 : i32
    %sign3A_13 = arith.extui %sign3A_12 : i1 to i32
    %sign3A_14 = arith.constant 0 : i32
    %sign3A_15 = arith.cmpi slt, %jit3A, %sign3A_14 : i32
    %sign3A_16 = arith.extui %sign3A_15 : i1 to i32
    %sign3A_17 = arith.subi %sign3A_13, %sign3A_16 : i32
    %ne3A = arith.cmpi ne, %sign3A_10, %sign3A_17 : i32
    %rem3A = arith.remsi %add3A_4, %jit3A : i32
    %ne3A_18 = arith.constant 0 : i32
    %ne3A_19 = arith.cmpi ne, %rem3A, %ne3A_18 : i32
    %and3A = arith.andi %ne3A, %ne3A_19 : i1
    %sub3A = arith.constant 1 : i32
    %sub3A_20 = arith.subi %div3A, %sub3A : i32
    %select_n3A = arith.select %and3A, %sub3A_20, %div3A : i32
    %multiple_of3A = tpu.assume_multiple %select_n3A, 2 : i32
    %dma_start3A = arith.constant 0 : i32
    %dma_start3A_21 = tpu.memref_slice %arg2[%add3A_4, %dma_start3A] : memref<16384x4096xf32, #tpu.memory_space<hbm>> -> memref<8x4096xf32, #tpu.memory_space<hbm>>
    %dma_start3A_22 = arith.constant 0 : i32
    %dma_start3A_23 = tpu.memref_slice %arg2[%add3A_4, %dma_start3A_22] : memref<16384x4096xf32, #tpu.memory_space<hbm>> -> memref<8x4096xf32, #tpu.memory_space<hbm>>
    tpu.enqueue_dma source(%dma_start3A_23 : memref<8x4096xf32, #tpu.memory_space<hbm>>) target(%arg6 : memref<8x4096xf32, #tpu.memory_space<vmem>>) target_semaphore(%arg12 : memref<!tpu.dma_semaphore, #tpu.memory_space<semaphore_mem>>)
    %dma_start3A_24 = tpu.memref_bitcast %arg3 : memref<16384x4096xi8, #tpu.memory_space<hbm>> -> memref<4096x4096xi32, #tpu.memory_space<hbm>>
    %dma_start3A_25 = arith.constant 0 : i32
    %dma_start3A_26 = tpu.memref_slice %dma_start3A_24[%multiple_of3A, %dma_start3A_25] : memref<4096x4096xi32, #tpu.memory_space<hbm>> -> memref<2x4096xi32, #tpu.memory_space<hbm>>
    %dma_start3A_27 = tpu.memref_bitcast %arg3 : memref<16384x4096xi8, #tpu.memory_space<hbm>> -> memref<4096x4096xi32, #tpu.memory_space<hbm>>
    %dma_start3A_28 = arith.constant 0 : i32
    %dma_start3A_29 = tpu.memref_slice %dma_start3A_27[%multiple_of3A, %dma_start3A_28] : memref<4096x4096xi32, #tpu.memory_space<hbm>> -> memref<2x4096xi32, #tpu.memory_space<hbm>>
    tpu.enqueue_dma source(%dma_start3A_29 : memref<2x4096xi32, #tpu.memory_space<hbm>>) target(%arg8 : memref<2x4096xi32, #tpu.memory_space<vmem>>) target_semaphore(%arg14 : memref<!tpu.dma_semaphore, #tpu.memory_space<semaphore_mem>>)
    %add3A_30 = arith.constant 8 : i32
    %add3A_31 = arith.addi %mul3A_2, %add3A_30 : i32
    %jit3A_32 = arith.constant 4 : i32
    %div3A_33 = arith.divsi %add3A_31, %jit3A_32 : i32
    %sign3A_34 = arith.constant 0 : i32
    %sign3A_35 = arith.cmpi sgt, %add3A_31, %sign3A_34 : i32
    %sign3A_36 = arith.extui %sign3A_35 : i1 to i32
    %sign3A_37 = arith.constant 0 : i32
    %sign3A_38 = arith.cmpi slt, %add3A_31, %sign3A_37 : i32
    %sign3A_39 = arith.extui %sign3A_38 : i1 to i32
    %sign3A_40 = arith.subi %sign3A_36, %sign3A_39 : i32
    %sign3A_41 = arith.constant 0 : i32
    %sign3A_42 = arith.cmpi sgt, %jit3A_32, %sign3A_41 : i32
    %sign3A_43 = arith.extui %sign3A_42 : i1 to i32
    %sign3A_44 = arith.constant 0 : i32
    %sign3A_45 = arith.cmpi slt, %jit3A_32, %sign3A_44 : i32
    %sign3A_46 = arith.extui %sign3A_45 : i1 to i32
    %sign3A_47 = arith.subi %sign3A_43, %sign3A_46 : i32
    %ne3A_48 = arith.cmpi ne, %sign3A_40, %sign3A_47 : i32
    %rem3A_49 = arith.remsi %add3A_31, %jit3A_32 : i32
    %ne3A_50 = arith.constant 0 : i32
    %ne3A_51 = arith.cmpi ne, %rem3A_49, %ne3A_50 : i32
    %and3A_52 = arith.andi %ne3A_48, %ne3A_51 : i1
    %sub3A_53 = arith.constant 1 : i32
    %sub3A_54 = arith.subi %div3A_33, %sub3A_53 : i32
    %select_n3A_55 = arith.select %and3A_52, %sub3A_54, %div3A_33 : i32
    %multiple_of3A_56 = tpu.assume_multiple %select_n3A_55, 2 : i32
    %dma_start3A_57 = arith.constant 0 : i32
    %dma_start3A_58 = tpu.memref_slice %arg2[%add3A_31, %dma_start3A_57] : memref<16384x4096xf32, #tpu.memory_space<hbm>> -> memref<8x4096xf32, #tpu.memory_space<hbm>>
    %dma_start3A_59 = arith.constant 0 : i32
    %dma_start3A_60 = tpu.memref_slice %arg2[%add3A_31, %dma_start3A_59] : memref<16384x4096xf32, #tpu.memory_space<hbm>> -> memref<8x4096xf32, #tpu.memory_space<hbm>>
    tpu.enqueue_dma source(%dma_start3A_60 : memref<8x4096xf32, #tpu.memory_space<hbm>>) target(%arg7 : memref<8x4096xf32, #tpu.memory_space<vmem>>) target_semaphore(%arg13 : memref<!tpu.dma_semaphore, #tpu.memory_space<semaphore_mem>>)
    %dma_start3A_61 = tpu.memref_bitcast %arg3 : memref<16384x4096xi8, #tpu.memory_space<hbm>> -> memref<4096x4096xi32, #tpu.memory_space<hbm>>
    %dma_start3A_62 = arith.constant 0 : i32
    %dma_start3A_63 = tpu.memref_slice %dma_start3A_61[%multiple_of3A_56, %dma_start3A_62] : memref<4096x4096xi32, #tpu.memory_space<hbm>> -> memref<2x4096xi32, #tpu.memory_space<hbm>>
    %dma_start3A_64 = tpu.memref_bitcast %arg3 : memref<16384x4096xi8, #tpu.memory_space<hbm>> -> memref<4096x4096xi32, #tpu.memory_space<hbm>>
    %dma_start3A_65 = arith.constant 0 : i32
    %dma_start3A_66 = tpu.memref_slice %dma_start3A_64[%multiple_of3A_56, %dma_start3A_65] : memref<4096x4096xi32, #tpu.memory_space<hbm>> -> memref<2x4096xi32, #tpu.memory_space<hbm>>
    tpu.enqueue_dma source(%dma_start3A_66 : memref<2x4096xi32, #tpu.memory_space<hbm>>) target(%arg9 : memref<2x4096xi32, #tpu.memory_space<vmem>>) target_semaphore(%arg15 : memref<!tpu.dma_semaphore, #tpu.memory_space<semaphore_mem>>)
    %broadcast_in_dim3A = arith.constant 0.000000e+00 : f32
    %broadcast_in_dim3A_67 = vector.broadcast %broadcast_in_dim3A : f32 to vector<16xf32>
    %broadcast_in_dim3A_68 = arith.constant 0 : i32
    %broadcast_in_dim3A_69 = vector.broadcast %broadcast_in_dim3A_68 : i32 to vector<16xi32>
    %scan3A = arith.constant 0 : i32
    %scan3A_70 = arith.constant 32 : i32
    %scan3A_71 = arith.addi %scan3A, %scan3A_70 : i32
    %scan3A_72 = arith.constant 1 : i32
    %scan3A_73:5 = scf.for %scan3A_81 = %scan3A to %scan3A_71 step %scan3A_72 iter_args(%scan3A_82 = %broadcast_in_dim3A_67, %scan3A_83 = %broadcast_in_dim3A_67, %scan3A_84 = %broadcast_in_dim3A_67, %scan3A_85 = %broadcast_in_dim3A_67, %scan3A_86 = %broadcast_in_dim3A_69) -> (vector<16xf32>, vector<16xf32>, vector<16xf32>, vector<16xf32>, vector<16xi32>)  : i32 {
      %mul3A_87 = arith.constant 2 : i32
      %mul3A_88 = arith.muli %scan3A_81, %mul3A_87 : i32
      %add3A_89 = arith.constant 0 : i32
      %add3A_90 = arith.addi %mul3A_88, %add3A_89 : i32
      %mul3A_91 = arith.constant 8 : i32
      %mul3A_92 = arith.muli %add3A_90, %mul3A_91 : i32
      %add3A_93 = arith.addi %mul3A_2, %mul3A_92 : i32
      %jit3A_94 = arith.constant 4 : i32
      %div3A_95 = arith.divsi %add3A_93, %jit3A_94 : i32
      %sign3A_96 = arith.constant 0 : i32
      %sign3A_97 = arith.cmpi sgt, %add3A_93, %sign3A_96 : i32
      %sign3A_98 = arith.extui %sign3A_97 : i1 to i32
      %sign3A_99 = arith.constant 0 : i32
      %sign3A_100 = arith.cmpi slt, %add3A_93, %sign3A_99 : i32
      %sign3A_101 = arith.extui %sign3A_100 : i1 to i32
      %sign3A_102 = arith.subi %sign3A_98, %sign3A_101 : i32
      %sign3A_103 = arith.constant 0 : i32
      %sign3A_104 = arith.cmpi sgt, %jit3A_94, %sign3A_103 : i32
      %sign3A_105 = arith.extui %sign3A_104 : i1 to i32
      %sign3A_106 = arith.constant 0 : i32
      %sign3A_107 = arith.cmpi slt, %jit3A_94, %sign3A_106 : i32
      %sign3A_108 = arith.extui %sign3A_107 : i1 to i32
      %sign3A_109 = arith.subi %sign3A_105, %sign3A_108 : i32
      %ne3A_110 = arith.cmpi ne, %sign3A_102, %sign3A_109 : i32
      %rem3A_111 = arith.remsi %add3A_93, %jit3A_94 : i32
      %ne3A_112 = arith.constant 0 : i32
      %ne3A_113 = arith.cmpi ne, %rem3A_111, %ne3A_112 : i32
      %and3A_114 = arith.andi %ne3A_110, %ne3A_113 : i1
      %sub3A_115 = arith.constant 1 : i32
      %sub3A_116 = arith.subi %div3A_95, %sub3A_115 : i32
      %select_n3A_117 = arith.select %and3A_114, %sub3A_116, %div3A_95 : i32
      %multiple_of3A_118 = tpu.assume_multiple %select_n3A_117, 2 : i32
      %dma_wait3A = arith.constant 0 : i32
      %dma_wait3A_119 = tpu.memref_slice %arg2[%add3A_93, %dma_wait3A] : memref<16384x4096xf32, #tpu.memory_space<hbm>> -> memref<8x4096xf32, #tpu.memory_space<hbm>>
      %dma_wait3A_120 = arith.constant 0 : i32
      %dma_wait3A_121 = tpu.memref_slice %arg2[%add3A_93, %dma_wait3A_120] : memref<16384x4096xf32, #tpu.memory_space<hbm>> -> memref<8x4096xf32, #tpu.memory_space<hbm>>
      tpu.wait_dma2 semaphore(%arg12 : memref<!tpu.dma_semaphore, #tpu.memory_space<semaphore_mem>>) src(%dma_wait3A_121 : memref<8x4096xf32, #tpu.memory_space<hbm>>) dst(%arg6 : memref<8x4096xf32, #tpu.memory_space<vmem>>)
      %dma_wait3A_122 = tpu.memref_bitcast %arg3 : memref<16384x4096xi8, #tpu.memory_space<hbm>> -> memref<4096x4096xi32, #tpu.memory_space<hbm>>
      %dma_wait3A_123 = arith.constant 0 : i32
      %dma_wait3A_124 = tpu.memref_slice %dma_wait3A_122[%multiple_of3A_118, %dma_wait3A_123] : memref<4096x4096xi32, #tpu.memory_space<hbm>> -> memref<2x4096xi32, #tpu.memory_space<hbm>>
      %dma_wait3A_125 = tpu.memref_bitcast %arg3 : memref<16384x4096xi8, #tpu.memory_space<hbm>> -> memref<4096x4096xi32, #tpu.memory_space<hbm>>
      %dma_wait3A_126 = arith.constant 0 : i32
      %dma_wait3A_127 = tpu.memref_slice %dma_wait3A_125[%multiple_of3A_118, %dma_wait3A_126] : memref<4096x4096xi32, #tpu.memory_space<hbm>> -> memref<2x4096xi32, #tpu.memory_space<hbm>>
      tpu.wait_dma2 semaphore(%arg14 : memref<!tpu.dma_semaphore, #tpu.memory_space<semaphore_mem>>) src(%dma_wait3A_127 : memref<2x4096xi32, #tpu.memory_space<hbm>>) dst(%arg8 : memref<2x4096xi32, #tpu.memory_space<vmem>>)
      %broadcast_in_dim3A_128 = arith.constant 0 : i32
      %broadcast_in_dim3A_129 = vector.broadcast %broadcast_in_dim3A_128 : i32 to vector<16xi32>
      %scan3A_130 = arith.constant 0 : i32
      %scan3A_131 = arith.constant 64 : i32
      %scan3A_132 = arith.addi %scan3A_130, %scan3A_131 : i32
      %scan3A_133 = arith.constant 1 : i32
      %scan3A_134:5 = scf.for %scan3A_445 = %scan3A_130 to %scan3A_132 step %scan3A_133 iter_args(%scan3A_446 = %scan3A_82, %scan3A_447 = %scan3A_83, %scan3A_448 = %scan3A_84, %scan3A_449 = %scan3A_85, %scan3A_450 = %broadcast_in_dim3A_129) -> (vector<16xf32>, vector<16xf32>, vector<16xf32>, vector<16xf32>, vector<16xi32>)  : i32 {
        %mul3A_451 = arith.constant 16 : i32
        %mul3A_452 = arith.muli %scan3A_445, %mul3A_451 : i32
        %add3A_453 = arith.constant 0 : i32
        %add3A_454 = arith.addi %add3A_453, %mul3A_452 : i32
        %add3A_455 = arith.constant 0 : i32
        %add3A_456 = arith.addi %add3A_454, %add3A_455 : i32
        %get3A = arith.constant 0 : i32
        %get3A_457 = arith.index_cast %get3A : i32 to index
        %get3A_458 = arith.index_cast %add3A_456 : i32 to index
        %get3A_459 = tpu.vector_load %arg8[%get3A_457, %get3A_458] {strides = array<i32>} : memref<2x4096xi32, #tpu.memory_space<vmem>>, vector<16xi32>,
        %and3A_460 = arith.constant 1 : i32
        %and3A_461 = vector.broadcast %and3A_460 : i32 to vector<16xi32>
        %and3A_462 = arith.andi %get3A_459, %and3A_461 : vector<16xi32>
        %ne3A_463 = arith.constant 0 : i32
        %ne3A_464 = vector.broadcast %ne3A_463 : i32 to vector<16xi32>
        %ne3A_465 = arith.cmpi ne, %and3A_462, %ne3A_464 : vector<16xi32>
        %add3A_466 = arith.constant 0 : i32
        %add3A_467 = arith.addi %add3A_454, %add3A_466 : i32
        %get3A_468 = arith.constant 0 : i32
        %get3A_469 = arith.index_cast %get3A_468 : i32 to index
        %get3A_470 = arith.index_cast %add3A_467 : i32 to index
        %get3A_471 = tpu.vector_load %arg6[%get3A_469, %get3A_470] {strides = array<i32>} : memref<8x4096xf32, #tpu.memory_space<vmem>>, vector<16xf32>,
        %jit3A_472 = arith.constant 0.000000e+00 : f32
        %broadcast_in_dim3A_473 = vector.broadcast %jit3A_472 : f32 to vector<16xf32>
        %select_n3A_474 = arith.select %ne3A_465, %get3A_471, %broadcast_in_dim3A_473 : vector<16xi1>, vector<16xf32>
        %add3A_475 = arith.addf %scan3A_446, %select_n3A_474 : vector<16xf32>
        %and3A_476 = arith.constant 256 : i32
        %and3A_477 = vector.broadcast %and3A_476 : i32 to vector<16xi32>
        %and3A_478 = arith.andi %get3A_459, %and3A_477 : vector<16xi32>
        %ne3A_479 = arith.constant 0 : i32
        %ne3A_480 = vector.broadcast %ne3A_479 : i32 to vector<16xi32>
        %ne3A_481 = arith.cmpi ne, %and3A_478, %ne3A_480 : vector<16xi32>
        %add3A_482 = arith.constant 0 : i32
        %add3A_483 = arith.addi %add3A_454, %add3A_482 : i32
        %get3A_484 = arith.constant 1 : i32
        %get3A_485 = arith.index_cast %get3A_484 : i32 to index
        %get3A_486 = arith.index_cast %add3A_483 : i32 to index
        %get3A_487 = tpu.vector_load %arg6[%get3A_485, %get3A_486] {strides = array<i32>} : memref<8x4096xf32, #tpu.memory_space<vmem>>, vector<16xf32>,
        %jit3A_488 = arith.constant 0.000000e+00 : f32
        %broadcast_in_dim3A_489 = vector.broadcast %jit3A_488 : f32 to vector<16xf32>
        %select_n3A_490 = arith.select %ne3A_481, %get3A_487, %broadcast_in_dim3A_489 : vector<16xi1>, vector<16xf32>
        %add3A_491 = arith.addf %scan3A_447, %select_n3A_490 : vector<16xf32>
        %and3A_492 = arith.constant 65536 : i32
        %and3A_493 = vector.broadcast %and3A_492 : i32 to vector<16xi32>
        %and3A_494 = arith.andi %get3A_459, %and3A_493 : vector<16xi32>
        %ne3A_495 = arith.constant 0 : i32
        %ne3A_496 = vector.broadcast %ne3A_495 : i32 to vector<16xi32>
        %ne3A_497 = arith.cmpi ne, %and3A_494, %ne3A_496 : vector<16xi32>
        %add3A_498 = arith.constant 0 : i32
        %add3A_499 = arith.addi %add3A_454, %add3A_498 : i32
        %get3A_500 = arith.constant 2 : i32
        %get3A_501 = arith.index_cast %get3A_500 : i32 to index
        %get3A_502 = arith.index_cast %add3A_499 : i32 to index
        %get3A_503 = tpu.vector_load %arg6[%get3A_501, %get3A_502] {strides = array<i32>} : memref<8x4096xf32, #tpu.memory_space<vmem>>, vector<16xf32>,
        %jit3A_504 = arith.constant 0.000000e+00 : f32
        %broadcast_in_dim3A_505 = vector.broadcast %jit3A_504 : f32 to vector<16xf32>
        %select_n3A_506 = arith.select %ne3A_497, %get3A_503, %broadcast_in_dim3A_505 : vector<16xi1>, vector<16xf32>
        %add3A_507 = arith.addf %scan3A_448, %select_n3A_506 : vector<16xf32>
        %and3A_508 = arith.constant 16777216 : i32
        %and3A_509 = vector.broadcast %and3A_508 : i32 to vector<16xi32>
        %and3A_510 = arith.andi %get3A_459, %and3A_509 : vector<16xi32>
        %ne3A_511 = arith.constant 0 : i32
        %ne3A_512 = vector.broadcast %ne3A_511 : i32 to vector<16xi32>
        %ne3A_513 = arith.cmpi ne, %and3A_510, %ne3A_512 : vector<16xi32>
        %add3A_514 = arith.constant 0 : i32
        %add3A_515 = arith.addi %add3A_454, %add3A_514 : i32
        %get3A_516 = arith.constant 3 : i32
        %get3A_517 = arith.index_cast %get3A_516 : i32 to index
        %get3A_518 = arith.index_cast %add3A_515 : i32 to index
        %get3A_519 = tpu.vector_load %arg6[%get3A_517, %get3A_518] {strides = array<i32>} : memref<8x4096xf32, #tpu.memory_space<vmem>>, vector<16xf32>,
        %jit3A_520 = arith.constant 0.000000e+00 : f32
        %broadcast_in_dim3A_521 = vector.broadcast %jit3A_520 : f32 to vector<16xf32>
        %select_n3A_522 = arith.select %ne3A_513, %get3A_519, %broadcast_in_dim3A_521 : vector<16xi1>, vector<16xf32>
        %add3A_523 = arith.addf %scan3A_449, %select_n3A_522 : vector<16xf32>
        %and3A_524 = arith.constant 16843009 : i32
        %and3A_525 = vector.broadcast %and3A_524 : i32 to vector<16xi32>
        %and3A_526 = arith.andi %get3A_459, %and3A_525 : vector<16xi32>
        %add3A_527 = arith.addi %scan3A_450, %and3A_526 : vector<16xi32>
        %add3A_528 = arith.constant 1024 : i32
        %add3A_529 = arith.addi %add3A_454, %add3A_528 : i32
        %get3A_530 = arith.constant 0 : i32
        %get3A_531 = arith.index_cast %get3A_530 : i32 to index
        %get3A_532 = arith.index_cast %add3A_529 : i32 to index
        %get3A_533 = tpu.vector_load %arg8[%get3A_531, %get3A_532] {strides = array<i32>} : memref<2x4096xi32, #tpu.memory_space<vmem>>, vector<16xi32>,
        %and3A_534 = arith.constant 1 : i32
        %and3A_535 = vector.broadcast %and3A_534 : i32 to vector<16xi32>
        %and3A_536 = arith.andi %get3A_533, %and3A_535 : vector<16xi32>
        %ne3A_537 = arith.constant 0 : i32
        %ne3A_538 = vector.broadcast %ne3A_537 : i32 to vector<16xi32>
        %ne3A_539 = arith.cmpi ne, %and3A_536, %ne3A_538 : vector<16xi32>
        %add3A_540 = arith.constant 1024 : i32
        %add3A_541 = arith.addi %add3A_454, %add3A_540 : i32
        %get3A_542 = arith.constant 0 : i32
        %get3A_543 = arith.index_cast %get3A_542 : i32 to index
        %get3A_544 = arith.index_cast %add3A_541 : i32 to index
        %get3A_545 = tpu.vector_load %arg6[%get3A_543, %get3A_544] {strides = array<i32>} : memref<8x4096xf32, #tpu.memory_space<vmem>>, vector<16xf32>,
        %jit3A_546 = arith.constant 0.000000e+00 : f32
        %broadcast_in_dim3A_547 = vector.broadcast %jit3A_546 : f32 to vector<16xf32>
        %select_n3A_548 = arith.select %ne3A_539, %get3A_545, %broadcast_in_dim3A_547 : vector<16xi1>, vector<16xf32>
        %add3A_549 = arith.addf %add3A_475, %select_n3A_548 : vector<16xf32>
        %and3A_550 = arith.constant 256 : i32
        %and3A_551 = vector.broadcast %and3A_550 : i32 to vector<16xi32>
        %and3A_552 = arith.andi %get3A_533, %and3A_551 : vector<16xi32>
        %ne3A_553 = arith.constant 0 : i32
        %ne3A_554 = vector.broadcast %ne3A_553 : i32 to vector<16xi32>
        %ne3A_555 = arith.cmpi ne, %and3A_552, %ne3A_554 : vector<16xi32>
        %add3A_556 = arith.constant 1024 : i32
        %add3A_557 = arith.addi %add3A_454, %add3A_556 : i32
        %get3A_558 = arith.constant 1 : i32
        %get3A_559 = arith.index_cast %get3A_558 : i32 to index
        %get3A_560 = arith.index_cast %add3A_557 : i32 to index
        %get3A_561 = tpu.vector_load %arg6[%get3A_559, %get3A_560] {strides = array<i32>} : memref<8x4096xf32, #tpu.memory_space<vmem>>, vector<16xf32>,
        %jit3A_562 = arith.constant 0.000000e+00 : f32
        %broadcast_in_dim3A_563 = vector.broadcast %jit3A_562 : f32 to vector<16xf32>
        %select_n3A_564 = arith.select %ne3A_555, %get3A_561, %broadcast_in_dim3A_563 : vector<16xi1>, vector<16xf32>
        %add3A_565 = arith.addf %add3A_491, %select_n3A_564 : vector<16xf32>
        %and3A_566 = arith.constant 65536 : i32
        %and3A_567 = vector.broadcast %and3A_566 : i32 to vector<16xi32>
        %and3A_568 = arith.andi %get3A_533, %and3A_567 : vector<16xi32>
        %ne3A_569 = arith.constant 0 : i32
        %ne3A_570 = vector.broadcast %ne3A_569 : i32 to vector<16xi32>
        %ne3A_571 = arith.cmpi ne, %and3A_568, %ne3A_570 : vector<16xi32>
        %add3A_572 = arith.constant 1024 : i32
        %add3A_573 = arith.addi %add3A_454, %add3A_572 : i32
        %get3A_574 = arith.constant 2 : i32
        %get3A_575 = arith.index_cast %get3A_574 : i32 to index
        %get3A_576 = arith.index_cast %add3A_573 : i32 to index
        %get3A_577 = tpu.vector_load %arg6[%get3A_575, %get3A_576] {strides = array<i32>} : memref<8x4096xf32, #tpu.memory_space<vmem>>, vector<16xf32>,
        %jit3A_578 = arith.constant 0.000000e+00 : f32
        %broadcast_in_dim3A_579 = vector.broadcast %jit3A_578 : f32 to vector<16xf32>
        %select_n3A_580 = arith.select %ne3A_571, %get3A_577, %broadcast_in_dim3A_579 : vector<16xi1>, vector<16xf32>
        %add3A_581 = arith.addf %add3A_507, %select_n3A_580 : vector<16xf32>
        %and3A_582 = arith.constant 16777216 : i32
        %and3A_583 = vector.broadcast %and3A_582 : i32 to vector<16xi32>
        %and3A_584 = arith.andi %get3A_533, %and3A_583 : vector<16xi32>
        %ne3A_585 = arith.constant 0 : i32
        %ne3A_586 = vector.broadcast %ne3A_585 : i32 to vector<16xi32>
        %ne3A_587 = arith.cmpi ne, %and3A_584, %ne3A_586 : vector<16xi32>
        %add3A_588 = arith.constant 1024 : i32
        %add3A_589 = arith.addi %add3A_454, %add3A_588 : i32
        %get3A_590 = arith.constant 3 : i32
        %get3A_591 = arith.index_cast %get3A_590 : i32 to index
        %get3A_592 = arith.index_cast %add3A_589 : i32 to index
        %get3A_593 = tpu.vector_load %arg6[%get3A_591, %get3A_592] {strides = array<i32>} : memref<8x4096xf32, #tpu.memory_space<vmem>>, vector<16xf32>,
        %jit3A_594 = arith.constant 0.000000e+00 : f32
        %broadcast_in_dim3A_595 = vector.broadcast %jit3A_594 : f32 to vector<16xf32>
        %select_n3A_596 = arith.select %ne3A_587, %get3A_593, %broadcast_in_dim3A_595 : vector<16xi1>, vector<16xf32>
        %add3A_597 = arith.addf %add3A_523, %select_n3A_596 : vector<16xf32>
        %and3A_598 = arith.constant 16843009 : i32
        %and3A_599 = vector.broadcast %and3A_598 : i32 to vector<16xi32>
        %and3A_600 = arith.andi %get3A_533, %and3A_599 : vector<16xi32>
        %add3A_601 = arith.addi %add3A_527, %and3A_600 : vector<16xi32>
        scf.yield %add3A_549, %add3A_565, %add3A_581, %add3A_597, %add3A_601 : vector<16xf32>, vector<16xf32>, vector<16xf32>, vector<16xf32>, vector<16xi32>
      }
      %scan3A_135 = arith.constant 64 : i32
      %and3A_136 = arith.constant 255 : i32
      %and3A_137 = vector.broadcast %and3A_136 : i32 to vector<16xi32>
      %and3A_138 = arith.andi %scan3A_134#4, %and3A_137 : vector<16xi32>
      %add3A_139 = arith.addi %scan3A_86, %and3A_138 : vector<16xi32>
      %shift_right_arithmetic3A = arith.constant 8 : i32
      %shift_right_arithmetic3A_140 = vector.broadcast %shift_right_arithmetic3A : i32 to vector<16xi32>
      %shift_right_arithmetic3A_141 = arith.shrsi %scan3A_134#4, %shift_right_arithmetic3A_140 : vector<16xi32>
      %and3A_142 = arith.constant 255 : i32
      %and3A_143 = vector.broadcast %and3A_142 : i32 to vector<16xi32>
      %and3A_144 = arith.andi %shift_right_arithmetic3A_141, %and3A_143 : vector<16xi32>
      %add3A_145 = arith.addi %add3A_139, %and3A_144 : vector<16xi32>
      %shift_right_arithmetic3A_146 = arith.constant 16 : i32
      %shift_right_arithmetic3A_147 = vector.broadcast %shift_right_arithmetic3A_146 : i32 to vector<16xi32>
      %shift_right_arithmetic3A_148 = arith.shrsi %scan3A_134#4, %shift_right_arithmetic3A_147 : vector<16xi32>
      %and3A_149 = arith.constant 255 : i32
      %and3A_150 = vector.broadcast %and3A_149 : i32 to vector<16xi32>
      %and3A_151 = arith.andi %shift_right_arithmetic3A_148, %and3A_150 : vector<16xi32>
      %add3A_152 = arith.addi %add3A_145, %and3A_151 : vector<16xi32>
      %shift_right_arithmetic3A_153 = arith.constant 24 : i32
      %shift_right_arithmetic3A_154 = vector.broadcast %shift_right_arithmetic3A_153 : i32 to vector<16xi32>
      %shift_right_arithmetic3A_155 = arith.shrsi %scan3A_134#4, %shift_right_arithmetic3A_154 : vector<16xi32>
      %and3A_156 = arith.constant 255 : i32
      %and3A_157 = vector.broadcast %and3A_156 : i32 to vector<16xi32>
      %and3A_158 = arith.andi %shift_right_arithmetic3A_155, %and3A_157 : vector<16xi32>
      %add3A_159 = arith.addi %add3A_152, %and3A_158 : vector<16xi32>
      %broadcast_in_dim3A_160 = arith.constant 0 : i32
      %broadcast_in_dim3A_161 = vector.broadcast %broadcast_in_dim3A_160 : i32 to vector<16xi32>
      %scan3A_162 = arith.constant 0 : i32
      %scan3A_163 = arith.constant 64 : i32
      %scan3A_164 = arith.addi %scan3A_162, %scan3A_163 : i32
      %scan3A_165 = arith.constant 1 : i32
      %scan3A_166:5 = scf.for %scan3A_445 = %scan3A_162 to %scan3A_164 step %scan3A_165 iter_args(%scan3A_446 = %scan3A_134#0, %scan3A_447 = %scan3A_134#1, %scan3A_448 = %scan3A_134#2, %scan3A_449 = %scan3A_134#3, %scan3A_450 = %broadcast_in_dim3A_161) -> (vector<16xf32>, vector<16xf32>, vector<16xf32>, vector<16xf32>, vector<16xi32>)  : i32 {
        %mul3A_451 = arith.constant 16 : i32
        %mul3A_452 = arith.muli %scan3A_445, %mul3A_451 : i32
        %add3A_453 = arith.constant 2048 : i32
        %add3A_454 = arith.addi %add3A_453, %mul3A_452 : i32
        %add3A_455 = arith.constant 0 : i32
        %add3A_456 = arith.addi %add3A_454, %add3A_455 : i32
        %get3A = arith.constant 0 : i32
        %get3A_457 = arith.index_cast %get3A : i32 to index
        %get3A_458 = arith.index_cast %add3A_456 : i32 to index
        %get3A_459 = tpu.vector_load %arg8[%get3A_457, %get3A_458] {strides = array<i32>} : memref<2x4096xi32, #tpu.memory_space<vmem>>, vector<16xi32>,
        %and3A_460 = arith.constant 1 : i32
        %and3A_461 = vector.broadcast %and3A_460 : i32 to vector<16xi32>
        %and3A_462 = arith.andi %get3A_459, %and3A_461 : vector<16xi32>
        %ne3A_463 = arith.constant 0 : i32
        %ne3A_464 = vector.broadcast %ne3A_463 : i32 to vector<16xi32>
        %ne3A_465 = arith.cmpi ne, %and3A_462, %ne3A_464 : vector<16xi32>
        %add3A_466 = arith.constant 0 : i32
        %add3A_467 = arith.addi %add3A_454, %add3A_466 : i32
        %get3A_468 = arith.constant 0 : i32
        %get3A_469 = arith.index_cast %get3A_468 : i32 to index
        %get3A_470 = arith.index_cast %add3A_467 : i32 to index
        %get3A_471 = tpu.vector_load %arg6[%get3A_469, %get3A_470] {strides = array<i32>} : memref<8x4096xf32, #tpu.memory_space<vmem>>, vector<16xf32>,
        %jit3A_472 = arith.constant 0.000000e+00 : f32
        %broadcast_in_dim3A_473 = vector.broadcast %jit3A_472 : f32 to vector<16xf32>
        %select_n3A_474 = arith.select %ne3A_465, %get3A_471, %broadcast_in_dim3A_473 : vector<16xi1>, vector<16xf32>
        %add3A_475 = arith.addf %scan3A_446, %select_n3A_474 : vector<16xf32>
        %and3A_476 = arith.constant 256 : i32
        %and3A_477 = vector.broadcast %and3A_476 : i32 to vector<16xi32>
        %and3A_478 = arith.andi %get3A_459, %and3A_477 : vector<16xi32>
        %ne3A_479 = arith.constant 0 : i32
        %ne3A_480 = vector.broadcast %ne3A_479 : i32 to vector<16xi32>
        %ne3A_481 = arith.cmpi ne, %and3A_478, %ne3A_480 : vector<16xi32>
        %add3A_482 = arith.constant 0 : i32
        %add3A_483 = arith.addi %add3A_454, %add3A_482 : i32
        %get3A_484 = arith.constant 1 : i32
        %get3A_485 = arith.index_cast %get3A_484 : i32 to index
        %get3A_486 = arith.index_cast %add3A_483 : i32 to index
        %get3A_487 = tpu.vector_load %arg6[%get3A_485, %get3A_486] {strides = array<i32>} : memref<8x4096xf32, #tpu.memory_space<vmem>>, vector<16xf32>,
        %jit3A_488 = arith.constant 0.000000e+00 : f32
        %broadcast_in_dim3A_489 = vector.broadcast %jit3A_488 : f32 to vector<16xf32>
        %select_n3A_490 = arith.select %ne3A_481, %get3A_487, %broadcast_in_dim3A_489 : vector<16xi1>, vector<16xf32>
        %add3A_491 = arith.addf %scan3A_447, %select_n3A_490 : vector<16xf32>
        %and3A_492 = arith.constant 65536 : i32
        %and3A_493 = vector.broadcast %and3A_492 : i32 to vector<16xi32>
        %and3A_494 = arith.andi %get3A_459, %and3A_493 : vector<16xi32>
        %ne3A_495 = arith.constant 0 : i32
        %ne3A_496 = vector.broadcast %ne3A_495 : i32 to vector<16xi32>
        %ne3A_497 = arith.cmpi ne, %and3A_494, %ne3A_496 : vector<16xi32>
        %add3A_498 = arith.constant 0 : i32
        %add3A_499 = arith.addi %add3A_454, %add3A_498 : i32
        %get3A_500 = arith.constant 2 : i32
        %get3A_501 = arith.index_cast %get3A_500 : i32 to index
        %get3A_502 = arith.index_cast %add3A_499 : i32 to index
        %get3A_503 = tpu.vector_load %arg6[%get3A_501, %get3A_502] {strides = array<i32>} : memref<8x4096xf32, #tpu.memory_space<vmem>>, vector<16xf32>,
        %jit3A_504 = arith.constant 0.000000e+00 : f32
        %broadcast_in_dim3A_505 = vector.broadcast %jit3A_504 : f32 to vector<16xf32>
        %select_n3A_506 = arith.select %ne3A_497, %get3A_503, %broadcast_in_dim3A_505 : vector<16xi1>, vector<16xf32>
        %add3A_507 = arith.addf %scan3A_448, %select_n3A_506 : vector<16xf32>
        %and3A_508 = arith.constant 16777216 : i32
        %and3A_509 = vector.broadcast %and3A_508 : i32 to vector<16xi32>
        %and3A_510 = arith.andi %get3A_459, %and3A_509 : vector<16xi32>
        %ne3A_511 = arith.constant 0 : i32
        %ne3A_512 = vector.broadcast %ne3A_511 : i32 to vector<16xi32>
        %ne3A_513 = arith.cmpi ne, %and3A_510, %ne3A_512 : vector<16xi32>
        %add3A_514 = arith.constant 0 : i32
        %add3A_515 = arith.addi %add3A_454, %add3A_514 : i32
        %get3A_516 = arith.constant 3 : i32
        %get3A_517 = arith.index_cast %get3A_516 : i32 to index
        %get3A_518 = arith.index_cast %add3A_515 : i32 to index
        %get3A_519 = tpu.vector_load %arg6[%get3A_517, %get3A_518] {strides = array<i32>} : memref<8x4096xf32, #tpu.memory_space<vmem>>, vector<16xf32>,
        %jit3A_520 = arith.constant 0.000000e+00 : f32
        %broadcast_in_dim3A_521 = vector.broadcast %jit3A_520 : f32 to vector<16xf32>
        %select_n3A_522 = arith.select %ne3A_513, %get3A_519, %broadcast_in_dim3A_521 : vector<16xi1>, vector<16xf32>
        %add3A_523 = arith.addf %scan3A_449, %select_n3A_522 : vector<16xf32>
        %and3A_524 = arith.constant 16843009 : i32
        %and3A_525 = vector.broadcast %and3A_524 : i32 to vector<16xi32>
        %and3A_526 = arith.andi %get3A_459, %and3A_525 : vector<16xi32>
        %add3A_527 = arith.addi %scan3A_450, %and3A_526 : vector<16xi32>
        %add3A_528 = arith.constant 1024 : i32
        %add3A_529 = arith.addi %add3A_454, %add3A_528 : i32
        %get3A_530 = arith.constant 0 : i32
        %get3A_531 = arith.index_cast %get3A_530 : i32 to index
        %get3A_532 = arith.index_cast %add3A_529 : i32 to index
        %get3A_533 = tpu.vector_load %arg8[%get3A_531, %get3A_532] {strides = array<i32>} : memref<2x4096xi32, #tpu.memory_space<vmem>>, vector<16xi32>,
        %and3A_534 = arith.constant 1 : i32
        %and3A_535 = vector.broadcast %and3A_534 : i32 to vector<16xi32>
        %and3A_536 = arith.andi %get3A_533, %and3A_535 : vector<16xi32>
        %ne3A_537 = arith.constant 0 : i32
        %ne3A_538 = vector.broadcast %ne3A_537 : i32 to vector<16xi32>
        %ne3A_539 = arith.cmpi ne, %and3A_536, %ne3A_538 : vector<16xi32>
        %add3A_540 = arith.constant 1024 : i32
        %add3A_541 = arith.addi %add3A_454, %add3A_540 : i32
        %get3A_542 = arith.constant 0 : i32
        %get3A_543 = arith.index_cast %get3A_542 : i32 to index
        %get3A_544 = arith.index_cast %add3A_541 : i32 to index
        %get3A_545 = tpu.vector_load %arg6[%get3A_543, %get3A_544] {strides = array<i32>} : memref<8x4096xf32, #tpu.memory_space<vmem>>, vector<16xf32>,
        %jit3A_546 = arith.constant 0.000000e+00 : f32
        %broadcast_in_dim3A_547 = vector.broadcast %jit3A_546 : f32 to vector<16xf32>
        %select_n3A_548 = arith.select %ne3A_539, %get3A_545, %broadcast_in_dim3A_547 : vector<16xi1>, vector<16xf32>
        %add3A_549 = arith.addf %add3A_475, %select_n3A_548 : vector<16xf32>
        %and3A_550 = arith.constant 256 : i32
        %and3A_551 = vector.broadcast %and3A_550 : i32 to vector<16xi32>
        %and3A_552 = arith.andi %get3A_533, %and3A_551 : vector<16xi32>
        %ne3A_553 = arith.constant 0 : i32
        %ne3A_554 = vector.broadcast %ne3A_553 : i32 to vector<16xi32>
        %ne3A_555 = arith.cmpi ne, %and3A_552, %ne3A_554 : vector<16xi32>
        %add3A_556 = arith.constant 1024 : i32
        %add3A_557 = arith.addi %add3A_454, %add3A_556 : i32
        %get3A_558 = arith.constant 1 : i32
        %get3A_559 = arith.index_cast %get3A_558 : i32 to index
        %get3A_560 = arith.index_cast %add3A_557 : i32 to index
        %get3A_561 = tpu.vector_load %arg6[%get3A_559, %get3A_560] {strides = array<i32>} : memref<8x4096xf32, #tpu.memory_space<vmem>>, vector<16xf32>,
        %jit3A_562 = arith.constant 0.000000e+00 : f32
        %broadcast_in_dim3A_563 = vector.broadcast %jit3A_562 : f32 to vector<16xf32>
        %select_n3A_564 = arith.select %ne3A_555, %get3A_561, %broadcast_in_dim3A_563 : vector<16xi1>, vector<16xf32>
        %add3A_565 = arith.addf %add3A_491, %select_n3A_564 : vector<16xf32>
        %and3A_566 = arith.constant 65536 : i32
        %and3A_567 = vector.broadcast %and3A_566 : i32 to vector<16xi32>
        %and3A_568 = arith.andi %get3A_533, %and3A_567 : vector<16xi32>
        %ne3A_569 = arith.constant 0 : i32
        %ne3A_570 = vector.broadcast %ne3A_569 : i32 to vector<16xi32>
        %ne3A_571 = arith.cmpi ne, %and3A_568, %ne3A_570 : vector<16xi32>
        %add3A_572 = arith.constant 1024 : i32
        %add3A_573 = arith.addi %add3A_454, %add3A_572 : i32
        %get3A_574 = arith.constant 2 : i32
        %get3A_575 = arith.index_cast %get3A_574 : i32 to index
        %get3A_576 = arith.index_cast %add3A_573 : i32 to index
        %get3A_577 = tpu.vector_load %arg6[%get3A_575, %get3A_576] {strides = array<i32>} : memref<8x4096xf32, #tpu.memory_space<vmem>>, vector<16xf32>,
        %jit3A_578 = arith.constant 0.000000e+00 : f32
        %broadcast_in_dim3A_579 = vector.broadcast %jit3A_578 : f32 to vector<16xf32>
        %select_n3A_580 = arith.select %ne3A_571, %get3A_577, %broadcast_in_dim3A_579 : vector<16xi1>, vector<16xf32>
        %add3A_581 = arith.addf %add3A_507, %select_n3A_580 : vector<16xf32>
        %and3A_582 = arith.constant 16777216 : i32
        %and3A_583 = vector.broadcast %and3A_582 : i32 to vector<16xi32>
        %and3A_584 = arith.andi %get3A_533, %and3A_583 : vector<16xi32>
        %ne3A_585 = arith.constant 0 : i32
        %ne3A_586 = vector.broadcast %ne3A_585 : i32 to vector<16xi32>
        %ne3A_587 = arith.cmpi ne, %and3A_584, %ne3A_586 : vector<16xi32>
        %add3A_588 = arith.constant 1024 : i32
        %add3A_589 = arith.addi %add3A_454, %add3A_588 : i32
        %get3A_590 = arith.constant 3 : i32
        %get3A_591 = arith.index_cast %get3A_590 : i32 to index
        %get3A_592 = arith.index_cast %add3A_589 : i32 to index
        %get3A_593 = tpu.vector_load %arg6[%get3A_591, %get3A_592] {strides = array<i32>} : memref<8x4096xf32, #tpu.memory_space<vmem>>, vector<16xf32>,
        %jit3A_594 = arith.constant 0.000000e+00 : f32
        %broadcast_in_dim3A_595 = vector.broadcast %jit3A_594 : f32 to vector<16xf32>
        %select_n3A_596 = arith.select %ne3A_587, %get3A_593, %broadcast_in_dim3A_595 : vector<16xi1>, vector<16xf32>
        %add3A_597 = arith.addf %add3A_523, %select_n3A_596 : vector<16xf32>
        %and3A_598 = arith.constant 16843009 : i32
        %and3A_599 = vector.broadcast %and3A_598 : i32 to vector<16xi32>
        %and3A_600 = arith.andi %get3A_533, %and3A_599 : vector<16xi32>
        %add3A_601 = arith.addi %add3A_527, %and3A_600 : vector<16xi32>
        scf.yield %add3A_549, %add3A_565, %add3A_581, %add3A_597, %add3A_601 : vector<16xf32>, vector<16xf32>, vector<16xf32>, vector<16xf32>, vector<16xi32>
      }
      %scan3A_167 = arith.constant 64 : i32
      %and3A_168 = arith.constant 255 : i32
      %and3A_169 = vector.broadcast %and3A_168 : i32 to vector<16xi32>
      %and3A_170 = arith.andi %scan3A_166#4, %and3A_169 : vector<16xi32>
      %add3A_171 = arith.addi %add3A_159, %and3A_170 : vector<16xi32>
      %shift_right_arithmetic3A_172 = arith.constant 8 : i32
      %shift_right_arithmetic3A_173 = vector.broadcast %shift_right_arithmetic3A_172 : i32 to vector<16xi32>
      %shift_right_arithmetic3A_174 = arith.shrsi %scan3A_166#4, %shift_right_arithmetic3A_173 : vector<16xi32>
      %and3A_175 = arith.constant 255 : i32
      %and3A_176 = vector.broadcast %and3A_175 : i32 to vector<16xi32>
      %and3A_177 = arith.andi %shift_right_arithmetic3A_174, %and3A_176 : vector<16xi32>
      %add3A_178 = arith.addi %add3A_171, %and3A_177 : vector<16xi32>
      %shift_right_arithmetic3A_179 = arith.constant 16 : i32
      %shift_right_arithmetic3A_180 = vector.broadcast %shift_right_arithmetic3A_179 : i32 to vector<16xi32>
      %shift_right_arithmetic3A_181 = arith.shrsi %scan3A_166#4, %shift_right_arithmetic3A_180 : vector<16xi32>
      %and3A_182 = arith.constant 255 : i32
      %and3A_183 = vector.broadcast %and3A_182 : i32 to vector<16xi32>
      %and3A_184 = arith.andi %shift_right_arithmetic3A_181, %and3A_183 : vector<16xi32>
      %add3A_185 = arith.addi %add3A_178, %and3A_184 : vector<16xi32>
      %shift_right_arithmetic3A_186 = arith.constant 24 : i32
      %shift_right_arithmetic3A_187 = vector.broadcast %shift_right_arithmetic3A_186 : i32 to vector<16xi32>
      %shift_right_arithmetic3A_188 = arith.shrsi %scan3A_166#4, %shift_right_arithmetic3A_187 : vector<16xi32>
      %and3A_189 = arith.constant 255 : i32
      %and3A_190 = vector.broadcast %and3A_189 : i32 to vector<16xi32>
      %and3A_191 = arith.andi %shift_right_arithmetic3A_188, %and3A_190 : vector<16xi32>
      %add3A_192 = arith.addi %add3A_185, %and3A_191 : vector<16xi32>
      %broadcast_in_dim3A_193 = arith.constant 0 : i32
      %broadcast_in_dim3A_194 = vector.broadcast %broadcast_in_dim3A_193 : i32 to vector<16xi32>
      %scan3A_195 = arith.constant 0 : i32
      %scan3A_196 = arith.constant 64 : i32
      %scan3A_197 = arith.addi %scan3A_195, %scan3A_196 : i32
      %scan3A_198 = arith.constant 1 : i32
      %scan3A_199:5 = scf.for %scan3A_445 = %scan3A_195 to %scan3A_197 step %scan3A_198 iter_args(%scan3A_446 = %scan3A_166#0, %scan3A_447 = %scan3A_166#1, %scan3A_448 = %scan3A_166#2, %scan3A_449 = %scan3A_166#3, %scan3A_450 = %broadcast_in_dim3A_194) -> (vector<16xf32>, vector<16xf32>, vector<16xf32>, vector<16xf32>, vector<16xi32>)  : i32 {
        %mul3A_451 = arith.constant 16 : i32
        %mul3A_452 = arith.muli %scan3A_445, %mul3A_451 : i32
        %add3A_453 = arith.constant 0 : i32
        %add3A_454 = arith.addi %add3A_453, %mul3A_452 : i32
        %add3A_455 = arith.constant 0 : i32
        %add3A_456 = arith.addi %add3A_454, %add3A_455 : i32
        %get3A = arith.constant 1 : i32
        %get3A_457 = arith.index_cast %get3A : i32 to index
        %get3A_458 = arith.index_cast %add3A_456 : i32 to index
        %get3A_459 = tpu.vector_load %arg8[%get3A_457, %get3A_458] {strides = array<i32>} : memref<2x4096xi32, #tpu.memory_space<vmem>>, vector<16xi32>,
        %and3A_460 = arith.constant 1 : i32
        %and3A_461 = vector.broadcast %and3A_460 : i32 to vector<16xi32>
        %and3A_462 = arith.andi %get3A_459, %and3A_461 : vector<16xi32>
        %ne3A_463 = arith.constant 0 : i32
        %ne3A_464 = vector.broadcast %ne3A_463 : i32 to vector<16xi32>
        %ne3A_465 = arith.cmpi ne, %and3A_462, %ne3A_464 : vector<16xi32>
        %add3A_466 = arith.constant 0 : i32
        %add3A_467 = arith.addi %add3A_454, %add3A_466 : i32
        %get3A_468 = arith.constant 4 : i32
        %get3A_469 = arith.index_cast %get3A_468 : i32 to index
        %get3A_470 = arith.index_cast %add3A_467 : i32 to index
        %get3A_471 = tpu.vector_load %arg6[%get3A_469, %get3A_470] {strides = array<i32>} : memref<8x4096xf32, #tpu.memory_space<vmem>>, vector<16xf32>,
        %jit3A_472 = arith.constant 0.000000e+00 : f32
        %broadcast_in_dim3A_473 = vector.broadcast %jit3A_472 : f32 to vector<16xf32>
        %select_n3A_474 = arith.select %ne3A_465, %get3A_471, %broadcast_in_dim3A_473 : vector<16xi1>, vector<16xf32>
        %add3A_475 = arith.addf %scan3A_446, %select_n3A_474 : vector<16xf32>
        %and3A_476 = arith.constant 256 : i32
        %and3A_477 = vector.broadcast %and3A_476 : i32 to vector<16xi32>
        %and3A_478 = arith.andi %get3A_459, %and3A_477 : vector<16xi32>
        %ne3A_479 = arith.constant 0 : i32
        %ne3A_480 = vector.broadcast %ne3A_479 : i32 to vector<16xi32>
        %ne3A_481 = arith.cmpi ne, %and3A_478, %ne3A_480 : vector<16xi32>
        %add3A_482 = arith.constant 0 : i32
        %add3A_483 = arith.addi %add3A_454, %add3A_482 : i32
        %get3A_484 = arith.constant 5 : i32
        %get3A_485 = arith.index_cast %get3A_484 : i32 to index
        %get3A_486 = arith.index_cast %add3A_483 : i32 to index
        %get3A_487 = tpu.vector_load %arg6[%get3A_485, %get3A_486] {strides = array<i32>} : memref<8x4096xf32, #tpu.memory_space<vmem>>, vector<16xf32>,
        %jit3A_488 = arith.constant 0.000000e+00 : f32
        %broadcast_in_dim3A_489 = vector.broadcast %jit3A_488 : f32 to vector<16xf32>
        %select_n3A_490 = arith.select %ne3A_481, %get3A_487, %broadcast_in_dim3A_489 : vector<16xi1>, vector<16xf32>
        %add3A_491 = arith.addf %scan3A_447, %select_n3A_490 : vector<16xf32>
        %and3A_492 = arith.constant 65536 : i32
        %and3A_493 = vector.broadcast %and3A_492 : i32 to vector<16xi32>
        %and3A_494 = arith.andi %get3A_459, %and3A_493 : vector<16xi32>
        %ne3A_495 = arith.constant 0 : i32
        %ne3A_496 = vector.broadcast %ne3A_495 : i32 to vector<16xi32>
        %ne3A_497 = arith.cmpi ne, %and3A_494, %ne3A_496 : vector<16xi32>
        %add3A_498 = arith.constant 0 : i32
        %add3A_499 = arith.addi %add3A_454, %add3A_498 : i32
        %get3A_500 = arith.constant 6 : i32
        %get3A_501 = arith.index_cast %get3A_500 : i32 to index
        %get3A_502 = arith.index_cast %add3A_499 : i32 to index
        %get3A_503 = tpu.vector_load %arg6[%get3A_501, %get3A_502] {strides = array<i32>} : memref<8x4096xf32, #tpu.memory_space<vmem>>, vector<16xf32>,
        %jit3A_504 = arith.constant 0.000000e+00 : f32
        %broadcast_in_dim3A_505 = vector.broadcast %jit3A_504 : f32 to vector<16xf32>
        %select_n3A_506 = arith.select %ne3A_497, %get3A_503, %broadcast_in_dim3A_505 : vector<16xi1>, vector<16xf32>
        %add3A_507 = arith.addf %scan3A_448, %select_n3A_506 : vector<16xf32>
        %and3A_508 = arith.constant 16777216 : i32
        %and3A_509 = vector.broadcast %and3A_508 : i32 to vector<16xi32>
        %and3A_510 = arith.andi %get3A_459, %and3A_509 : vector<16xi32>
        %ne3A_511 = arith.constant 0 : i32
        %ne3A_512 = vector.broadcast %ne3A_511 : i32 to vector<16xi32>
        %ne3A_513 = arith.cmpi ne, %and3A_510, %ne3A_512 : vector<16xi32>
        %add3A_514 = arith.constant 0 : i32
        %add3A_515 = arith.addi %add3A_454, %add3A_514 : i32
        %get3A_516 = arith.constant 7 : i32
        %get3A_517 = arith.index_cast %get3A_516 : i32 to index
        %get3A_518 = arith.index_cast %add3A_515 : i32 to index
        %get3A_519 = tpu.vector_load %arg6[%get3A_517, %get3A_518] {strides = array<i32>} : memref<8x4096xf32, #tpu.memory_space<vmem>>, vector<16xf32>,
        %jit3A_520 = arith.constant 0.000000e+00 : f32
        %broadcast_in_dim3A_521 = vector.broadcast %jit3A_520 : f32 to vector<16xf32>
        %select_n3A_522 = arith.select %ne3A_513, %get3A_519, %broadcast_in_dim3A_521 : vector<16xi1>, vector<16xf32>
        %add3A_523 = arith.addf %scan3A_449, %select_n3A_522 : vector<16xf32>
        %and3A_524 = arith.constant 16843009 : i32
        %and3A_525 = vector.broadcast %and3A_524 : i32 to vector<16xi32>
        %and3A_526 = arith.andi %get3A_459, %and3A_525 : vector<16xi32>
        %add3A_527 = arith.addi %scan3A_450, %and3A_526 : vector<16xi32>
        %add3A_528 = arith.constant 1024 : i32
        %add3A_529 = arith.addi %add3A_454, %add3A_528 : i32
        %get3A_530 = arith.constant 1 : i32
        %get3A_531 = arith.index_cast %get3A_530 : i32 to index
        %get3A_532 = arith.index_cast %add3A_529 : i32 to index
        %get3A_533 = tpu.vector_load %arg8[%get3A_531, %get3A_532] {strides = array<i32>} : memref<2x4096xi32, #tpu.memory_space<vmem>>, vector<16xi32>,
        %and3A_534 = arith.constant 1 : i32
        %and3A_535 = vector.broadcast %and3A_534 : i32 to vector<16xi32>
        %and3A_536 = arith.andi %get3A_533, %and3A_535 : vector<16xi32>
        %ne3A_537 = arith.constant 0 : i32
        %ne3A_538 = vector.broadcast %ne3A_537 : i32 to vector<16xi32>
        %ne3A_539 = arith.cmpi ne, %and3A_536, %ne3A_538 : vector<16xi32>
        %add3A_540 = arith.constant 1024 : i32
        %add3A_541 = arith.addi %add3A_454, %add3A_540 : i32
        %get3A_542 = arith.constant 4 : i32
        %get3A_543 = arith.index_cast %get3A_542 : i32 to index
        %get3A_544 = arith.index_cast %add3A_541 : i32 to index
        %get3A_545 = tpu.vector_load %arg6[%get3A_543, %get3A_544] {strides = array<i32>} : memref<8x4096xf32, #tpu.memory_space<vmem>>, vector<16xf32>,
        %jit3A_546 = arith.constant 0.000000e+00 : f32
        %broadcast_in_dim3A_547 = vector.broadcast %jit3A_546 : f32 to vector<16xf32>
        %select_n3A_548 = arith.select %ne3A_539, %get3A_545, %broadcast_in_dim3A_547 : vector<16xi1>, vector<16xf32>
        %add3A_549 = arith.addf %add3A_475, %select_n3A_548 : vector<16xf32>
        %and3A_550 = arith.constant 256 : i32
        %and3A_551 = vector.broadcast %and3A_550 : i32 to vector<16xi32>
        %and3A_552 = arith.andi %get3A_533, %and3A_551 : vector<16xi32>
        %ne3A_553 = arith.constant 0 : i32
        %ne3A_554 = vector.broadcast %ne3A_553 : i32 to vector<16xi32>
        %ne3A_555 = arith.cmpi ne, %and3A_552, %ne3A_554 : vector<16xi32>
        %add3A_556 = arith.constant 1024 : i32
        %add3A_557 = arith.addi %add3A_454, %add3A_556 : i32
        %get3A_558 = arith.constant 5 : i32
        %get3A_559 = arith.index_cast %get3A_558 : i32 to index
        %get3A_560 = arith.index_cast %add3A_557 : i32 to index
        %get3A_561 = tpu.vector_load %arg6[%get3A_559, %get3A_560] {strides = array<i32>} : memref<8x4096xf32, #tpu.memory_space<vmem>>, vector<16xf32>,
        %jit3A_562 = arith.constant 0.000000e+00 : f32
        %broadcast_in_dim3A_563 = vector.broadcast %jit3A_562 : f32 to vector<16xf32>
        %select_n3A_564 = arith.select %ne3A_555, %get3A_561, %broadcast_in_dim3A_563 : vector<16xi1>, vector<16xf32>
        %add3A_565 = arith.addf %add3A_491, %select_n3A_564 : vector<16xf32>
        %and3A_566 = arith.constant 65536 : i32
        %and3A_567 = vector.broadcast %and3A_566 : i32 to vector<16xi32>
        %and3A_568 = arith.andi %get3A_533, %and3A_567 : vector<16xi32>
        %ne3A_569 = arith.constant 0 : i32
        %ne3A_570 = vector.broadcast %ne3A_569 : i32 to vector<16xi32>
        %ne3A_571 = arith.cmpi ne, %and3A_568, %ne3A_570 : vector<16xi32>
        %add3A_572 = arith.constant 1024 : i32
        %add3A_573 = arith.addi %add3A_454, %add3A_572 : i32
        %get3A_574 = arith.constant 6 : i32
        %get3A_575 = arith.index_cast %get3A_574 : i32 to index
        %get3A_576 = arith.index_cast %add3A_573 : i32 to index
        %get3A_577 = tpu.vector_load %arg6[%get3A_575, %get3A_576] {strides = array<i32>} : memref<8x4096xf32, #tpu.memory_space<vmem>>, vector<16xf32>,
        %jit3A_578 = arith.constant 0.000000e+00 : f32
        %broadcast_in_dim3A_579 = vector.broadcast %jit3A_578 : f32 to vector<16xf32>
        %select_n3A_580 = arith.select %ne3A_571, %get3A_577, %broadcast_in_dim3A_579 : vector<16xi1>, vector<16xf32>
        %add3A_581 = arith.addf %add3A_507, %select_n3A_580 : vector<16xf32>
        %and3A_582 = arith.constant 16777216 : i32
        %and3A_583 = vector.broadcast %and3A_582 : i32 to vector<16xi32>
        %and3A_584 = arith.andi %get3A_533, %and3A_583 : vector<16xi32>
        %ne3A_585 = arith.constant 0 : i32
        %ne3A_586 = vector.broadcast %ne3A_585 : i32 to vector<16xi32>
        %ne3A_587 = arith.cmpi ne, %and3A_584, %ne3A_586 : vector<16xi32>
        %add3A_588 = arith.constant 1024 : i32
        %add3A_589 = arith.addi %add3A_454, %add3A_588 : i32
        %get3A_590 = arith.constant 7 : i32
        %get3A_591 = arith.index_cast %get3A_590 : i32 to index
        %get3A_592 = arith.index_cast %add3A_589 : i32 to index
        %get3A_593 = tpu.vector_load %arg6[%get3A_591, %get3A_592] {strides = array<i32>} : memref<8x4096xf32, #tpu.memory_space<vmem>>, vector<16xf32>,
        %jit3A_594 = arith.constant 0.000000e+00 : f32
        %broadcast_in_dim3A_595 = vector.broadcast %jit3A_594 : f32 to vector<16xf32>
        %select_n3A_596 = arith.select %ne3A_587, %get3A_593, %broadcast_in_dim3A_595 : vector<16xi1>, vector<16xf32>
        %add3A_597 = arith.addf %add3A_523, %select_n3A_596 : vector<16xf32>
        %and3A_598 = arith.constant 16843009 : i32
        %and3A_599 = vector.broadcast %and3A_598 : i32 to vector<16xi32>
        %and3A_600 = arith.andi %get3A_533, %and3A_599 : vector<16xi32>
        %add3A_601 = arith.addi %add3A_527, %and3A_600 : vector<16xi32>
        scf.yield %add3A_549, %add3A_565, %add3A_581, %add3A_597, %add3A_601 : vector<16xf32>, vector<16xf32>, vector<16xf32>, vector<16xf32>, vector<16xi32>
      }
      %scan3A_200 = arith.constant 64 : i32
      %and3A_201 = arith.constant 255 : i32
      %and3A_202 = vector.broadcast %and3A_201 : i32 to vector<16xi32>
      %and3A_203 = arith.andi %scan3A_199#4, %and3A_202 : vector<16xi32>
      %add3A_204 = arith.addi %add3A_192, %and3A_203 : vector<16xi32>
      %shift_right_arithmetic3A_205 = arith.constant 8 : i32
      %shift_right_arithmetic3A_206 = vector.broadcast %shift_right_arithmetic3A_205 : i32 to vector<16xi32>
      %shift_right_arithmetic3A_207 = arith.shrsi %scan3A_199#4, %shift_right_arithmetic3A_206 : vector<16xi32>
      %and3A_208 = arith.constant 255 : i32
      %and3A_209 = vector.broadcast %and3A_208 : i32 to vector<16xi32>
      %and3A_210 = arith.andi %shift_right_arithmetic3A_207, %and3A_209 : vector<16xi32>
      %add3A_211 = arith.addi %add3A_204, %and3A_210 : vector<16xi32>
      %shift_right_arithmetic3A_212 = arith.constant 16 : i32
      %shift_right_arithmetic3A_213 = vector.broadcast %shift_right_arithmetic3A_212 : i32 to vector<16xi32>
      %shift_right_arithmetic3A_214 = arith.shrsi %scan3A_199#4, %shift_right_arithmetic3A_213 : vector<16xi32>
      %and3A_215 = arith.constant 255 : i32
      %and3A_216 = vector.broadcast %and3A_215 : i32 to vector<16xi32>
      %and3A_217 = arith.andi %shift_right_arithmetic3A_214, %and3A_216 : vector<16xi32>
      %add3A_218 = arith.addi %add3A_211, %and3A_217 : vector<16xi32>
      %shift_right_arithmetic3A_219 = arith.constant 24 : i32
      %shift_right_arithmetic3A_220 = vector.broadcast %shift_right_arithmetic3A_219 : i32 to vector<16xi32>
      %shift_right_arithmetic3A_221 = arith.shrsi %scan3A_199#4, %shift_right_arithmetic3A_220 : vector<16xi32>
      %and3A_222 = arith.constant 255 : i32
      %and3A_223 = vector.broadcast %and3A_222 : i32 to vector<16xi32>
      %and3A_224 = arith.andi %shift_right_arithmetic3A_221, %and3A_223 : vector<16xi32>
      %add3A_225 = arith.addi %add3A_218, %and3A_224 : vector<16xi32>
      %broadcast_in_dim3A_226 = arith.constant 0 : i32
      %broadcast_in_dim3A_227 = vector.broadcast %broadcast_in_dim3A_226 : i32 to vector<16xi32>
      %scan3A_228 = arith.constant 0 : i32
      %scan3A_229 = arith.constant 64 : i32
      %scan3A_230 = arith.addi %scan3A_228, %scan3A_229 : i32
      %scan3A_231 = arith.constant 1 : i32
      %scan3A_232:5 = scf.for %scan3A_445 = %scan3A_228 to %scan3A_230 step %scan3A_231 iter_args(%scan3A_446 = %scan3A_199#0, %scan3A_447 = %scan3A_199#1, %scan3A_448 = %scan3A_199#2, %scan3A_449 = %scan3A_199#3, %scan3A_450 = %broadcast_in_dim3A_227) -> (vector<16xf32>, vector<16xf32>, vector<16xf32>, vector<16xf32>, vector<16xi32>)  : i32 {
        %mul3A_451 = arith.constant 16 : i32
        %mul3A_452 = arith.muli %scan3A_445, %mul3A_451 : i32
        %add3A_453 = arith.constant 2048 : i32
        %add3A_454 = arith.addi %add3A_453, %mul3A_452 : i32
        %add3A_455 = arith.constant 0 : i32
        %add3A_456 = arith.addi %add3A_454, %add3A_455 : i32
        %get3A = arith.constant 1 : i32
        %get3A_457 = arith.index_cast %get3A : i32 to index
        %get3A_458 = arith.index_cast %add3A_456 : i32 to index
        %get3A_459 = tpu.vector_load %arg8[%get3A_457, %get3A_458] {strides = array<i32>} : memref<2x4096xi32, #tpu.memory_space<vmem>>, vector<16xi32>,
        %and3A_460 = arith.constant 1 : i32
        %and3A_461 = vector.broadcast %and3A_460 : i32 to vector<16xi32>
        %and3A_462 = arith.andi %get3A_459, %and3A_461 : vector<16xi32>
        %ne3A_463 = arith.constant 0 : i32
        %ne3A_464 = vector.broadcast %ne3A_463 : i32 to vector<16xi32>
        %ne3A_465 = arith.cmpi ne, %and3A_462, %ne3A_464 : vector<16xi32>
        %add3A_466 = arith.constant 0 : i32
        %add3A_467 = arith.addi %add3A_454, %add3A_466 : i32
        %get3A_468 = arith.constant 4 : i32
        %get3A_469 = arith.index_cast %get3A_468 : i32 to index
        %get3A_470 = arith.index_cast %add3A_467 : i32 to index
        %get3A_471 = tpu.vector_load %arg6[%get3A_469, %get3A_470] {strides = array<i32>} : memref<8x4096xf32, #tpu.memory_space<vmem>>, vector<16xf32>,
        %jit3A_472 = arith.constant 0.000000e+00 : f32
        %broadcast_in_dim3A_473 = vector.broadcast %jit3A_472 : f32 to vector<16xf32>
        %select_n3A_474 = arith.select %ne3A_465, %get3A_471, %broadcast_in_dim3A_473 : vector<16xi1>, vector<16xf32>
        %add3A_475 = arith.addf %scan3A_446, %select_n3A_474 : vector<16xf32>
        %and3A_476 = arith.constant 256 : i32
        %and3A_477 = vector.broadcast %and3A_476 : i32 to vector<16xi32>
        %and3A_478 = arith.andi %get3A_459, %and3A_477 : vector<16xi32>
        %ne3A_479 = arith.constant 0 : i32
        %ne3A_480 = vector.broadcast %ne3A_479 : i32 to vector<16xi32>
        %ne3A_481 = arith.cmpi ne, %and3A_478, %ne3A_480 : vector<16xi32>
        %add3A_482 = arith.constant 0 : i32
        %add3A_483 = arith.addi %add3A_454, %add3A_482 : i32
        %get3A_484 = arith.constant 5 : i32
        %get3A_485 = arith.index_cast %get3A_484 : i32 to index
        %get3A_486 = arith.index_cast %add3A_483 : i32 to index
        %get3A_487 = tpu.vector_load %arg6[%get3A_485, %get3A_486] {strides = array<i32>} : memref<8x4096xf32, #tpu.memory_space<vmem>>, vector<16xf32>,
        %jit3A_488 = arith.constant 0.000000e+00 : f32
        %broadcast_in_dim3A_489 = vector.broadcast %jit3A_488 : f32 to vector<16xf32>
        %select_n3A_490 = arith.select %ne3A_481, %get3A_487, %broadcast_in_dim3A_489 : vector<16xi1>, vector<16xf32>
        %add3A_491 = arith.addf %scan3A_447, %select_n3A_490 : vector<16xf32>
        %and3A_492 = arith.constant 65536 : i32
        %and3A_493 = vector.broadcast %and3A_492 : i32 to vector<16xi32>
        %and3A_494 = arith.andi %get3A_459, %and3A_493 : vector<16xi32>
        %ne3A_495 = arith.constant 0 : i32
        %ne3A_496 = vector.broadcast %ne3A_495 : i32 to vector<16xi32>
        %ne3A_497 = arith.cmpi ne, %and3A_494, %ne3A_496 : vector<16xi32>
        %add3A_498 = arith.constant 0 : i32
        %add3A_499 = arith.addi %add3A_454, %add3A_498 : i32
        %get3A_500 = arith.constant 6 : i32
        %get3A_501 = arith.index_cast %get3A_500 : i32 to index
        %get3A_502 = arith.index_cast %add3A_499 : i32 to index
        %get3A_503 = tpu.vector_load %arg6[%get3A_501, %get3A_502] {strides = array<i32>} : memref<8x4096xf32, #tpu.memory_space<vmem>>, vector<16xf32>,
        %jit3A_504 = arith.constant 0.000000e+00 : f32
        %broadcast_in_dim3A_505 = vector.broadcast %jit3A_504 : f32 to vector<16xf32>
        %select_n3A_506 = arith.select %ne3A_497, %get3A_503, %broadcast_in_dim3A_505 : vector<16xi1>, vector<16xf32>
        %add3A_507 = arith.addf %scan3A_448, %select_n3A_506 : vector<16xf32>
        %and3A_508 = arith.constant 16777216 : i32
        %and3A_509 = vector.broadcast %and3A_508 : i32 to vector<16xi32>
        %and3A_510 = arith.andi %get3A_459, %and3A_509 : vector<16xi32>
        %ne3A_511 = arith.constant 0 : i32
        %ne3A_512 = vector.broadcast %ne3A_511 : i32 to vector<16xi32>
        %ne3A_513 = arith.cmpi ne, %and3A_510, %ne3A_512 : vector<16xi32>
        %add3A_514 = arith.constant 0 : i32
        %add3A_515 = arith.addi %add3A_454, %add3A_514 : i32
        %get3A_516 = arith.constant 7 : i32
        %get3A_517 = arith.index_cast %get3A_516 : i32 to index
        %get3A_518 = arith.index_cast %add3A_515 : i32 to index
        %get3A_519 = tpu.vector_load %arg6[%get3A_517, %get3A_518] {strides = array<i32>} : memref<8x4096xf32, #tpu.memory_space<vmem>>, vector<16xf32>,
        %jit3A_520 = arith.constant 0.000000e+00 : f32
        %broadcast_in_dim3A_521 = vector.broadcast %jit3A_520 : f32 to vector<16xf32>
        %select_n3A_522 = arith.select %ne3A_513, %get3A_519, %broadcast_in_dim3A_521 : vector<16xi1>, vector<16xf32>
        %add3A_523 = arith.addf %scan3A_449, %select_n3A_522 : vector<16xf32>
        %and3A_524 = arith.constant 16843009 : i32
        %and3A_525 = vector.broadcast %and3A_524 : i32 to vector<16xi32>
        %and3A_526 = arith.andi %get3A_459, %and3A_525 : vector<16xi32>
        %add3A_527 = arith.addi %scan3A_450, %and3A_526 : vector<16xi32>
        %add3A_528 = arith.constant 1024 : i32
        %add3A_529 = arith.addi %add3A_454, %add3A_528 : i32
        %get3A_530 = arith.constant 1 : i32
        %get3A_531 = arith.index_cast %get3A_530 : i32 to index
        %get3A_532 = arith.index_cast %add3A_529 : i32 to index
        %get3A_533 = tpu.vector_load %arg8[%get3A_531, %get3A_532] {strides = array<i32>} : memref<2x4096xi32, #tpu.memory_space<vmem>>, vector<16xi32>,
        %and3A_534 = arith.constant 1 : i32
        %and3A_535 = vector.broadcast %and3A_534 : i32 to vector<16xi32>
        %and3A_536 = arith.andi %get3A_533, %and3A_535 : vector<16xi32>
        %ne3A_537 = arith.constant 0 : i32
        %ne3A_538 = vector.broadcast %ne3A_537 : i32 to vector<16xi32>
        %ne3A_539 = arith.cmpi ne, %and3A_536, %ne3A_538 : vector<16xi32>
        %add3A_540 = arith.constant 1024 : i32
        %add3A_541 = arith.addi %add3A_454, %add3A_540 : i32
        %get3A_542 = arith.constant 4 : i32
        %get3A_543 = arith.index_cast %get3A_542 : i32 to index
        %get3A_544 = arith.index_cast %add3A_541 : i32 to index
        %get3A_545 = tpu.vector_load %arg6[%get3A_543, %get3A_544] {strides = array<i32>} : memref<8x4096xf32, #tpu.memory_space<vmem>>, vector<16xf32>,
        %jit3A_546 = arith.constant 0.000000e+00 : f32
        %broadcast_in_dim3A_547 = vector.broadcast %jit3A_546 : f32 to vector<16xf32>
        %select_n3A_548 = arith.select %ne3A_539, %get3A_545, %broadcast_in_dim3A_547 : vector<16xi1>, vector<16xf32>
        %add3A_549 = arith.addf %add3A_475, %select_n3A_548 : vector<16xf32>
        %and3A_550 = arith.constant 256 : i32
        %and3A_551 = vector.broadcast %and3A_550 : i32 to vector<16xi32>
        %and3A_552 = arith.andi %get3A_533, %and3A_551 : vector<16xi32>
        %ne3A_553 = arith.constant 0 : i32
        %ne3A_554 = vector.broadcast %ne3A_553 : i32 to vector<16xi32>
        %ne3A_555 = arith.cmpi ne, %and3A_552, %ne3A_554 : vector<16xi32>
        %add3A_556 = arith.constant 1024 : i32
        %add3A_557 = arith.addi %add3A_454, %add3A_556 : i32
        %get3A_558 = arith.constant 5 : i32
        %get3A_559 = arith.index_cast %get3A_558 : i32 to index
        %get3A_560 = arith.index_cast %add3A_557 : i32 to index
        %get3A_561 = tpu.vector_load %arg6[%get3A_559, %get3A_560] {strides = array<i32>} : memref<8x4096xf32, #tpu.memory_space<vmem>>, vector<16xf32>,
        %jit3A_562 = arith.constant 0.000000e+00 : f32
        %broadcast_in_dim3A_563 = vector.broadcast %jit3A_562 : f32 to vector<16xf32>
        %select_n3A_564 = arith.select %ne3A_555, %get3A_561, %broadcast_in_dim3A_563 : vector<16xi1>, vector<16xf32>
        %add3A_565 = arith.addf %add3A_491, %select_n3A_564 : vector<16xf32>
        %and3A_566 = arith.constant 65536 : i32
        %and3A_567 = vector.broadcast %and3A_566 : i32 to vector<16xi32>
        %and3A_568 = arith.andi %get3A_533, %and3A_567 : vector<16xi32>
        %ne3A_569 = arith.constant 0 : i32
        %ne3A_570 = vector.broadcast %ne3A_569 : i32 to vector<16xi32>
        %ne3A_571 = arith.cmpi ne, %and3A_568, %ne3A_570 : vector<16xi32>
        %add3A_572 = arith.constant 1024 : i32
        %add3A_573 = arith.addi %add3A_454, %add3A_572 : i32
        %get3A_574 = arith.constant 6 : i32
        %get3A_575 = arith.index_cast %get3A_574 : i32 to index
        %get3A_576 = arith.index_cast %add3A_573 : i32 to index
        %get3A_577 = tpu.vector_load %arg6[%get3A_575, %get3A_576] {strides = array<i32>} : memref<8x4096xf32, #tpu.memory_space<vmem>>, vector<16xf32>,
        %jit3A_578 = arith.constant 0.000000e+00 : f32
        %broadcast_in_dim3A_579 = vector.broadcast %jit3A_578 : f32 to vector<16xf32>
        %select_n3A_580 = arith.select %ne3A_571, %get3A_577, %broadcast_in_dim3A_579 : vector<16xi1>, vector<16xf32>
        %add3A_581 = arith.addf %add3A_507, %select_n3A_580 : vector<16xf32>
        %and3A_582 = arith.constant 16777216 : i32
        %and3A_583 = vector.broadcast %and3A_582 : i32 to vector<16xi32>
        %and3A_584 = arith.andi %get3A_533, %and3A_583 : vector<16xi32>
        %ne3A_585 = arith.constant 0 : i32
        %ne3A_586 = vector.broadcast %ne3A_585 : i32 to vector<16xi32>
        %ne3A_587 = arith.cmpi ne, %and3A_584, %ne3A_586 : vector<16xi32>
        %add3A_588 = arith.constant 1024 : i32
        %add3A_589 = arith.addi %add3A_454, %add3A_588 : i32
        %get3A_590 = arith.constant 7 : i32
        %get3A_591 = arith.index_cast %get3A_590 : i32 to index
        %get3A_592 = arith.index_cast %add3A_589 : i32 to index
        %get3A_593 = tpu.vector_load %arg6[%get3A_591, %get3A_592] {strides = array<i32>} : memref<8x4096xf32, #tpu.memory_space<vmem>>, vector<16xf32>,
        %jit3A_594 = arith.constant 0.000000e+00 : f32
        %broadcast_in_dim3A_595 = vector.broadcast %jit3A_594 : f32 to vector<16xf32>
        %select_n3A_596 = arith.select %ne3A_587, %get3A_593, %broadcast_in_dim3A_595 : vector<16xi1>, vector<16xf32>
        %add3A_597 = arith.addf %add3A_523, %select_n3A_596 : vector<16xf32>
        %and3A_598 = arith.constant 16843009 : i32
        %and3A_599 = vector.broadcast %and3A_598 : i32 to vector<16xi32>
        %and3A_600 = arith.andi %get3A_533, %and3A_599 : vector<16xi32>
        %add3A_601 = arith.addi %add3A_527, %and3A_600 : vector<16xi32>
        scf.yield %add3A_549, %add3A_565, %add3A_581, %add3A_597, %add3A_601 : vector<16xf32>, vector<16xf32>, vector<16xf32>, vector<16xf32>, vector<16xi32>
      }
      %scan3A_233 = arith.constant 64 : i32
      %and3A_234 = arith.constant 255 : i32
      %and3A_235 = vector.broadcast %and3A_234 : i32 to vector<16xi32>
      %and3A_236 = arith.andi %scan3A_232#4, %and3A_235 : vector<16xi32>
      %add3A_237 = arith.addi %add3A_225, %and3A_236 : vector<16xi32>
      %shift_right_arithmetic3A_238 = arith.constant 8 : i32
      %shift_right_arithmetic3A_239 = vector.broadcast %shift_right_arithmetic3A_238 : i32 to vector<16xi32>
      %shift_right_arithmetic3A_240 = arith.shrsi %scan3A_232#4, %shift_right_arithmetic3A_239 : vector<16xi32>
      %and3A_241 = arith.constant 255 : i32
      %and3A_242 = vector.broadcast %and3A_241 : i32 to vector<16xi32>
      %and3A_243 = arith.andi %shift_right_arithmetic3A_240, %and3A_242 : vector<16xi32>
      %add3A_244 = arith.addi %add3A_237, %and3A_243 : vector<16xi32>
      %shift_right_arithmetic3A_245 = arith.constant 16 : i32
      %shift_right_arithmetic3A_246 = vector.broadcast %shift_right_arithmetic3A_245 : i32 to vector<16xi32>
      %shift_right_arithmetic3A_247 = arith.shrsi %scan3A_232#4, %shift_right_arithmetic3A_246 : vector<16xi32>
      %and3A_248 = arith.constant 255 : i32
      %and3A_249 = vector.broadcast %and3A_248 : i32 to vector<16xi32>
      %and3A_250 = arith.andi %shift_right_arithmetic3A_247, %and3A_249 : vector<16xi32>
      %add3A_251 = arith.addi %add3A_244, %and3A_250 : vector<16xi32>
      %shift_right_arithmetic3A_252 = arith.constant 24 : i32
      %shift_right_arithmetic3A_253 = vector.broadcast %shift_right_arithmetic3A_252 : i32 to vector<16xi32>
      %shift_right_arithmetic3A_254 = arith.shrsi %scan3A_232#4, %shift_right_arithmetic3A_253 : vector<16xi32>
      %and3A_255 = arith.constant 255 : i32
      %and3A_256 = vector.broadcast %and3A_255 : i32 to vector<16xi32>
      %and3A_257 = arith.andi %shift_right_arithmetic3A_254, %and3A_256 : vector<16xi32>
      %add3A_258 = arith.addi %add3A_251, %and3A_257 : vector<16xi32>
      %add3A_259 = arith.constant 2 : i32
      %add3A_260 = arith.addi %add3A_90, %add3A_259 : i32
      %lt3A = arith.constant 64 : i32
      %lt3A_261 = arith.cmpi slt, %add3A_260, %lt3A : i32
      %convert_element_type3A_262 = arith.extui %lt3A_261 : i1 to i32
      %cond3A = arith.constant 0 : i32
      %cond3A_263 = arith.cmpi ne, %convert_element_type3A_262, %cond3A : i32
      scf.if %cond3A_263 {
        %add3A_445 = arith.constant 2 : i32
        %add3A_446 = arith.addi %add3A_90, %add3A_445 : i32
        %mul3A_447 = arith.constant 8 : i32
        %mul3A_448 = arith.muli %add3A_446, %mul3A_447 : i32
        %add3A_449 = arith.addi %mul3A_2, %mul3A_448 : i32
        %jit3A_450 = arith.constant 4 : i32
        %div3A_451 = arith.divsi %add3A_449, %jit3A_450 : i32
        %sign3A_452 = arith.constant 0 : i32
        %sign3A_453 = arith.cmpi sgt, %add3A_449, %sign3A_452 : i32
        %sign3A_454 = arith.extui %sign3A_453 : i1 to i32
        %sign3A_455 = arith.constant 0 : i32
        %sign3A_456 = arith.cmpi slt, %add3A_449, %sign3A_455 : i32
        %sign3A_457 = arith.extui %sign3A_456 : i1 to i32
        %sign3A_458 = arith.subi %sign3A_454, %sign3A_457 : i32
        %sign3A_459 = arith.constant 0 : i32
        %sign3A_460 = arith.cmpi sgt, %jit3A_450, %sign3A_459 : i32
        %sign3A_461 = arith.extui %sign3A_460 : i1 to i32
        %sign3A_462 = arith.constant 0 : i32
        %sign3A_463 = arith.cmpi slt, %jit3A_450, %sign3A_462 : i32
        %sign3A_464 = arith.extui %sign3A_463 : i1 to i32
        %sign3A_465 = arith.subi %sign3A_461, %sign3A_464 : i32
        %ne3A_466 = arith.cmpi ne, %sign3A_458, %sign3A_465 : i32
        %rem3A_467 = arith.remsi %add3A_449, %jit3A_450 : i32
        %ne3A_468 = arith.constant 0 : i32
        %ne3A_469 = arith.cmpi ne, %rem3A_467, %ne3A_468 : i32
        %and3A_470 = arith.andi %ne3A_466, %ne3A_469 : i1
        %sub3A_471 = arith.constant 1 : i32
        %sub3A_472 = arith.subi %div3A_451, %sub3A_471 : i32
        %select_n3A_473 = arith.select %and3A_470, %sub3A_472, %div3A_451 : i32
        %multiple_of3A_474 = tpu.assume_multiple %select_n3A_473, 2 : i32
        %dma_start3A_475 = arith.constant 0 : i32
        %dma_start3A_476 = tpu.memref_slice %arg2[%add3A_449, %dma_start3A_475] : memref<16384x4096xf32, #tpu.memory_space<hbm>> -> memref<8x4096xf32, #tpu.memory_space<hbm>>
        %dma_start3A_477 = arith.constant 0 : i32
        %dma_start3A_478 = tpu.memref_slice %arg2[%add3A_449, %dma_start3A_477] : memref<16384x4096xf32, #tpu.memory_space<hbm>> -> memref<8x4096xf32, #tpu.memory_space<hbm>>
        tpu.enqueue_dma source(%dma_start3A_478 : memref<8x4096xf32, #tpu.memory_space<hbm>>) target(%arg6 : memref<8x4096xf32, #tpu.memory_space<vmem>>) target_semaphore(%arg12 : memref<!tpu.dma_semaphore, #tpu.memory_space<semaphore_mem>>)
        %dma_start3A_479 = tpu.memref_bitcast %arg3 : memref<16384x4096xi8, #tpu.memory_space<hbm>> -> memref<4096x4096xi32, #tpu.memory_space<hbm>>
        %dma_start3A_480 = arith.constant 0 : i32
        %dma_start3A_481 = tpu.memref_slice %dma_start3A_479[%multiple_of3A_474, %dma_start3A_480] : memref<4096x4096xi32, #tpu.memory_space<hbm>> -> memref<2x4096xi32, #tpu.memory_space<hbm>>
        %dma_start3A_482 = tpu.memref_bitcast %arg3 : memref<16384x4096xi8, #tpu.memory_space<hbm>> -> memref<4096x4096xi32, #tpu.memory_space<hbm>>
        %dma_start3A_483 = arith.constant 0 : i32
        %dma_start3A_484 = tpu.memref_slice %dma_start3A_482[%multiple_of3A_474, %dma_start3A_483] : memref<4096x4096xi32, #tpu.memory_space<hbm>> -> memref<2x4096xi32, #tpu.memory_space<hbm>>
        tpu.enqueue_dma source(%dma_start3A_484 : memref<2x4096xi32, #tpu.memory_space<hbm>>) target(%arg8 : memref<2x4096xi32, #tpu.memory_space<vmem>>) target_semaphore(%arg14 : memref<!tpu.dma_semaphore, #tpu.memory_space<semaphore_mem>>)
      } else {
      }
      %mul3A_264 = arith.constant 2 : i32
      %mul3A_265 = arith.muli %scan3A_81, %mul3A_264 : i32
      %add3A_266 = arith.constant 1 : i32
      %add3A_267 = arith.addi %mul3A_265, %add3A_266 : i32
      %mul3A_268 = arith.constant 8 : i32
      %mul3A_269 = arith.muli %add3A_267, %mul3A_268 : i32
      %add3A_270 = arith.addi %mul3A_2, %mul3A_269 : i32
      %jit3A_271 = arith.constant 4 : i32
      %div3A_272 = arith.divsi %add3A_270, %jit3A_271 : i32
      %sign3A_273 = arith.constant 0 : i32
      %sign3A_274 = arith.cmpi sgt, %add3A_270, %sign3A_273 : i32
      %sign3A_275 = arith.extui %sign3A_274 : i1 to i32
      %sign3A_276 = arith.constant 0 : i32
      %sign3A_277 = arith.cmpi slt, %add3A_270, %sign3A_276 : i32
      %sign3A_278 = arith.extui %sign3A_277 : i1 to i32
      %sign3A_279 = arith.subi %sign3A_275, %sign3A_278 : i32
      %sign3A_280 = arith.constant 0 : i32
      %sign3A_281 = arith.cmpi sgt, %jit3A_271, %sign3A_280 : i32
      %sign3A_282 = arith.extui %sign3A_281 : i1 to i32
      %sign3A_283 = arith.constant 0 : i32
      %sign3A_284 = arith.cmpi slt, %jit3A_271, %sign3A_283 : i32
      %sign3A_285 = arith.extui %sign3A_284 : i1 to i32
      %sign3A_286 = arith.subi %sign3A_282, %sign3A_285 : i32
      %ne3A_287 = arith.cmpi ne, %sign3A_279, %sign3A_286 : i32
      %rem3A_288 = arith.remsi %add3A_270, %jit3A_271 : i32
      %ne3A_289 = arith.constant 0 : i32
      %ne3A_290 = arith.cmpi ne, %rem3A_288, %ne3A_289 : i32
      %and3A_291 = arith.andi %ne3A_287, %ne3A_290 : i1
      %sub3A_292 = arith.constant 1 : i32
      %sub3A_293 = arith.subi %div3A_272, %sub3A_292 : i32
      %select_n3A_294 = arith.select %and3A_291, %sub3A_293, %div3A_272 : i32
      %multiple_of3A_295 = tpu.assume_multiple %select_n3A_294, 2 : i32
      %dma_wait3A_296 = arith.constant 0 : i32
      %dma_wait3A_297 = tpu.memref_slice %arg2[%add3A_270, %dma_wait3A_296] : memref<16384x4096xf32, #tpu.memory_space<hbm>> -> memref<8x4096xf32, #tpu.memory_space<hbm>>
      %dma_wait3A_298 = arith.constant 0 : i32
      %dma_wait3A_299 = tpu.memref_slice %arg2[%add3A_270, %dma_wait3A_298] : memref<16384x4096xf32, #tpu.memory_space<hbm>> -> memref<8x4096xf32, #tpu.memory_space<hbm>>
      tpu.wait_dma2 semaphore(%arg13 : memref<!tpu.dma_semaphore, #tpu.memory_space<semaphore_mem>>) src(%dma_wait3A_299 : memref<8x4096xf32, #tpu.memory_space<hbm>>) dst(%arg7 : memref<8x4096xf32, #tpu.memory_space<vmem>>)
      %dma_wait3A_300 = tpu.memref_bitcast %arg3 : memref<16384x4096xi8, #tpu.memory_space<hbm>> -> memref<4096x4096xi32, #tpu.memory_space<hbm>>
      %dma_wait3A_301 = arith.constant 0 : i32
      %dma_wait3A_302 = tpu.memref_slice %dma_wait3A_300[%multiple_of3A_295, %dma_wait3A_301] : memref<4096x4096xi32, #tpu.memory_space<hbm>> -> memref<2x4096xi32, #tpu.memory_space<hbm>>
      %dma_wait3A_303 = tpu.memref_bitcast %arg3 : memref<16384x4096xi8, #tpu.memory_space<hbm>> -> memref<4096x4096xi32, #tpu.memory_space<hbm>>
      %dma_wait3A_304 = arith.constant 0 : i32
      %dma_wait3A_305 = tpu.memref_slice %dma_wait3A_303[%multiple_of3A_295, %dma_wait3A_304] : memref<4096x4096xi32, #tpu.memory_space<hbm>> -> memref<2x4096xi32, #tpu.memory_space<hbm>>
      tpu.wait_dma2 semaphore(%arg15 : memref<!tpu.dma_semaphore, #tpu.memory_space<semaphore_mem>>) src(%dma_wait3A_305 : memref<2x4096xi32, #tpu.memory_space<hbm>>) dst(%arg9 : memref<2x4096xi32, #tpu.memory_space<vmem>>)
      %broadcast_in_dim3A_306 = arith.constant 0 : i32
      %broadcast_in_dim3A_307 = vector.broadcast %broadcast_in_dim3A_306 : i32 to vector<16xi32>
      %scan3A_308 = arith.constant 0 : i32
      %scan3A_309 = arith.constant 64 : i32
      %scan3A_310 = arith.addi %scan3A_308, %scan3A_309 : i32
      %scan3A_311 = arith.constant 1 : i32
      %scan3A_312:5 = scf.for %scan3A_445 = %scan3A_308 to %scan3A_310 step %scan3A_311 iter_args(%scan3A_446 = %scan3A_232#0, %scan3A_447 = %scan3A_232#1, %scan3A_448 = %scan3A_232#2, %scan3A_449 = %scan3A_232#3, %scan3A_450 = %broadcast_in_dim3A_307) -> (vector<16xf32>, vector<16xf32>, vector<16xf32>, vector<16xf32>, vector<16xi32>)  : i32 {
        %mul3A_451 = arith.constant 16 : i32
        %mul3A_452 = arith.muli %scan3A_445, %mul3A_451 : i32
        %add3A_453 = arith.constant 0 : i32
        %add3A_454 = arith.addi %add3A_453, %mul3A_452 : i32
        %add3A_455 = arith.constant 0 : i32
        %add3A_456 = arith.addi %add3A_454, %add3A_455 : i32
        %get3A = arith.constant 0 : i32
        %get3A_457 = arith.index_cast %get3A : i32 to index
        %get3A_458 = arith.index_cast %add3A_456 : i32 to index
        %get3A_459 = tpu.vector_load %arg9[%get3A_457, %get3A_458] {strides = array<i32>} : memref<2x4096xi32, #tpu.memory_space<vmem>>, vector<16xi32>,
        %and3A_460 = arith.constant 1 : i32
        %and3A_461 = vector.broadcast %and3A_460 : i32 to vector<16xi32>
        %and3A_462 = arith.andi %get3A_459, %and3A_461 : vector<16xi32>
        %ne3A_463 = arith.constant 0 : i32
        %ne3A_464 = vector.broadcast %ne3A_463 : i32 to vector<16xi32>
        %ne3A_465 = arith.cmpi ne, %and3A_462, %ne3A_464 : vector<16xi32>
        %add3A_466 = arith.constant 0 : i32
        %add3A_467 = arith.addi %add3A_454, %add3A_466 : i32
        %get3A_468 = arith.constant 0 : i32
        %get3A_469 = arith.index_cast %get3A_468 : i32 to index
        %get3A_470 = arith.index_cast %add3A_467 : i32 to index
        %get3A_471 = tpu.vector_load %arg7[%get3A_469, %get3A_470] {strides = array<i32>} : memref<8x4096xf32, #tpu.memory_space<vmem>>, vector<16xf32>,
        %jit3A_472 = arith.constant 0.000000e+00 : f32
        %broadcast_in_dim3A_473 = vector.broadcast %jit3A_472 : f32 to vector<16xf32>
        %select_n3A_474 = arith.select %ne3A_465, %get3A_471, %broadcast_in_dim3A_473 : vector<16xi1>, vector<16xf32>
        %add3A_475 = arith.addf %scan3A_446, %select_n3A_474 : vector<16xf32>
        %and3A_476 = arith.constant 256 : i32
        %and3A_477 = vector.broadcast %and3A_476 : i32 to vector<16xi32>
        %and3A_478 = arith.andi %get3A_459, %and3A_477 : vector<16xi32>
        %ne3A_479 = arith.constant 0 : i32
        %ne3A_480 = vector.broadcast %ne3A_479 : i32 to vector<16xi32>
        %ne3A_481 = arith.cmpi ne, %and3A_478, %ne3A_480 : vector<16xi32>
        %add3A_482 = arith.constant 0 : i32
        %add3A_483 = arith.addi %add3A_454, %add3A_482 : i32
        %get3A_484 = arith.constant 1 : i32
        %get3A_485 = arith.index_cast %get3A_484 : i32 to index
        %get3A_486 = arith.index_cast %add3A_483 : i32 to index
        %get3A_487 = tpu.vector_load %arg7[%get3A_485, %get3A_486] {strides = array<i32>} : memref<8x4096xf32, #tpu.memory_space<vmem>>, vector<16xf32>,
        %jit3A_488 = arith.constant 0.000000e+00 : f32
        %broadcast_in_dim3A_489 = vector.broadcast %jit3A_488 : f32 to vector<16xf32>
        %select_n3A_490 = arith.select %ne3A_481, %get3A_487, %broadcast_in_dim3A_489 : vector<16xi1>, vector<16xf32>
        %add3A_491 = arith.addf %scan3A_447, %select_n3A_490 : vector<16xf32>
        %and3A_492 = arith.constant 65536 : i32
        %and3A_493 = vector.broadcast %and3A_492 : i32 to vector<16xi32>
        %and3A_494 = arith.andi %get3A_459, %and3A_493 : vector<16xi32>
        %ne3A_495 = arith.constant 0 : i32
        %ne3A_496 = vector.broadcast %ne3A_495 : i32 to vector<16xi32>
        %ne3A_497 = arith.cmpi ne, %and3A_494, %ne3A_496 : vector<16xi32>
        %add3A_498 = arith.constant 0 : i32
        %add3A_499 = arith.addi %add3A_454, %add3A_498 : i32
        %get3A_500 = arith.constant 2 : i32
        %get3A_501 = arith.index_cast %get3A_500 : i32 to index
        %get3A_502 = arith.index_cast %add3A_499 : i32 to index
        %get3A_503 = tpu.vector_load %arg7[%get3A_501, %get3A_502] {strides = array<i32>} : memref<8x4096xf32, #tpu.memory_space<vmem>>, vector<16xf32>,
        %jit3A_504 = arith.constant 0.000000e+00 : f32
        %broadcast_in_dim3A_505 = vector.broadcast %jit3A_504 : f32 to vector<16xf32>
        %select_n3A_506 = arith.select %ne3A_497, %get3A_503, %broadcast_in_dim3A_505 : vector<16xi1>, vector<16xf32>
        %add3A_507 = arith.addf %scan3A_448, %select_n3A_506 : vector<16xf32>
        %and3A_508 = arith.constant 16777216 : i32
        %and3A_509 = vector.broadcast %and3A_508 : i32 to vector<16xi32>
        %and3A_510 = arith.andi %get3A_459, %and3A_509 : vector<16xi32>
        %ne3A_511 = arith.constant 0 : i32
        %ne3A_512 = vector.broadcast %ne3A_511 : i32 to vector<16xi32>
        %ne3A_513 = arith.cmpi ne, %and3A_510, %ne3A_512 : vector<16xi32>
        %add3A_514 = arith.constant 0 : i32
        %add3A_515 = arith.addi %add3A_454, %add3A_514 : i32
        %get3A_516 = arith.constant 3 : i32
        %get3A_517 = arith.index_cast %get3A_516 : i32 to index
        %get3A_518 = arith.index_cast %add3A_515 : i32 to index
        %get3A_519 = tpu.vector_load %arg7[%get3A_517, %get3A_518] {strides = array<i32>} : memref<8x4096xf32, #tpu.memory_space<vmem>>, vector<16xf32>,
        %jit3A_520 = arith.constant 0.000000e+00 : f32
        %broadcast_in_dim3A_521 = vector.broadcast %jit3A_520 : f32 to vector<16xf32>
        %select_n3A_522 = arith.select %ne3A_513, %get3A_519, %broadcast_in_dim3A_521 : vector<16xi1>, vector<16xf32>
        %add3A_523 = arith.addf %scan3A_449, %select_n3A_522 : vector<16xf32>
        %and3A_524 = arith.constant 16843009 : i32
        %and3A_525 = vector.broadcast %and3A_524 : i32 to vector<16xi32>
        %and3A_526 = arith.andi %get3A_459, %and3A_525 : vector<16xi32>
        %add3A_527 = arith.addi %scan3A_450, %and3A_526 : vector<16xi32>
        %add3A_528 = arith.constant 1024 : i32
        %add3A_529 = arith.addi %add3A_454, %add3A_528 : i32
        %get3A_530 = arith.constant 0 : i32
        %get3A_531 = arith.index_cast %get3A_530 : i32 to index
        %get3A_532 = arith.index_cast %add3A_529 : i32 to index
        %get3A_533 = tpu.vector_load %arg9[%get3A_531, %get3A_532] {strides = array<i32>} : memref<2x4096xi32, #tpu.memory_space<vmem>>, vector<16xi32>,
        %and3A_534 = arith.constant 1 : i32
        %and3A_535 = vector.broadcast %and3A_534 : i32 to vector<16xi32>
        %and3A_536 = arith.andi %get3A_533, %and3A_535 : vector<16xi32>
        %ne3A_537 = arith.constant 0 : i32
        %ne3A_538 = vector.broadcast %ne3A_537 : i32 to vector<16xi32>
        %ne3A_539 = arith.cmpi ne, %and3A_536, %ne3A_538 : vector<16xi32>
        %add3A_540 = arith.constant 1024 : i32
        %add3A_541 = arith.addi %add3A_454, %add3A_540 : i32
        %get3A_542 = arith.constant 0 : i32
        %get3A_543 = arith.index_cast %get3A_542 : i32 to index
        %get3A_544 = arith.index_cast %add3A_541 : i32 to index
        %get3A_545 = tpu.vector_load %arg7[%get3A_543, %get3A_544] {strides = array<i32>} : memref<8x4096xf32, #tpu.memory_space<vmem>>, vector<16xf32>,
        %jit3A_546 = arith.constant 0.000000e+00 : f32
        %broadcast_in_dim3A_547 = vector.broadcast %jit3A_546 : f32 to vector<16xf32>
        %select_n3A_548 = arith.select %ne3A_539, %get3A_545, %broadcast_in_dim3A_547 : vector<16xi1>, vector<16xf32>
        %add3A_549 = arith.addf %add3A_475, %select_n3A_548 : vector<16xf32>
        %and3A_550 = arith.constant 256 : i32
        %and3A_551 = vector.broadcast %and3A_550 : i32 to vector<16xi32>
        %and3A_552 = arith.andi %get3A_533, %and3A_551 : vector<16xi32>
        %ne3A_553 = arith.constant 0 : i32
        %ne3A_554 = vector.broadcast %ne3A_553 : i32 to vector<16xi32>
        %ne3A_555 = arith.cmpi ne, %and3A_552, %ne3A_554 : vector<16xi32>
        %add3A_556 = arith.constant 1024 : i32
        %add3A_557 = arith.addi %add3A_454, %add3A_556 : i32
        %get3A_558 = arith.constant 1 : i32
        %get3A_559 = arith.index_cast %get3A_558 : i32 to index
        %get3A_560 = arith.index_cast %add3A_557 : i32 to index
        %get3A_561 = tpu.vector_load %arg7[%get3A_559, %get3A_560] {strides = array<i32>} : memref<8x4096xf32, #tpu.memory_space<vmem>>, vector<16xf32>,
        %jit3A_562 = arith.constant 0.000000e+00 : f32
        %broadcast_in_dim3A_563 = vector.broadcast %jit3A_562 : f32 to vector<16xf32>
        %select_n3A_564 = arith.select %ne3A_555, %get3A_561, %broadcast_in_dim3A_563 : vector<16xi1>, vector<16xf32>
        %add3A_565 = arith.addf %add3A_491, %select_n3A_564 : vector<16xf32>
        %and3A_566 = arith.constant 65536 : i32
        %and3A_567 = vector.broadcast %and3A_566 : i32 to vector<16xi32>
        %and3A_568 = arith.andi %get3A_533, %and3A_567 : vector<16xi32>
        %ne3A_569 = arith.constant 0 : i32
        %ne3A_570 = vector.broadcast %ne3A_569 : i32 to vector<16xi32>
        %ne3A_571 = arith.cmpi ne, %and3A_568, %ne3A_570 : vector<16xi32>
        %add3A_572 = arith.constant 1024 : i32
        %add3A_573 = arith.addi %add3A_454, %add3A_572 : i32
        %get3A_574 = arith.constant 2 : i32
        %get3A_575 = arith.index_cast %get3A_574 : i32 to index
        %get3A_576 = arith.index_cast %add3A_573 : i32 to index
        %get3A_577 = tpu.vector_load %arg7[%get3A_575, %get3A_576] {strides = array<i32>} : memref<8x4096xf32, #tpu.memory_space<vmem>>, vector<16xf32>,
        %jit3A_578 = arith.constant 0.000000e+00 : f32
        %broadcast_in_dim3A_579 = vector.broadcast %jit3A_578 : f32 to vector<16xf32>
        %select_n3A_580 = arith.select %ne3A_571, %get3A_577, %broadcast_in_dim3A_579 : vector<16xi1>, vector<16xf32>
        %add3A_581 = arith.addf %add3A_507, %select_n3A_580 : vector<16xf32>
        %and3A_582 = arith.constant 16777216 : i32
        %and3A_583 = vector.broadcast %and3A_582 : i32 to vector<16xi32>
        %and3A_584 = arith.andi %get3A_533, %and3A_583 : vector<16xi32>
        %ne3A_585 = arith.constant 0 : i32
        %ne3A_586 = vector.broadcast %ne3A_585 : i32 to vector<16xi32>
        %ne3A_587 = arith.cmpi ne, %and3A_584, %ne3A_586 : vector<16xi32>
        %add3A_588 = arith.constant 1024 : i32
        %add3A_589 = arith.addi %add3A_454, %add3A_588 : i32
        %get3A_590 = arith.constant 3 : i32
        %get3A_591 = arith.index_cast %get3A_590 : i32 to index
        %get3A_592 = arith.index_cast %add3A_589 : i32 to index
        %get3A_593 = tpu.vector_load %arg7[%get3A_591, %get3A_592] {strides = array<i32>} : memref<8x4096xf32, #tpu.memory_space<vmem>>, vector<16xf32>,
        %jit3A_594 = arith.constant 0.000000e+00 : f32
        %broadcast_in_dim3A_595 = vector.broadcast %jit3A_594 : f32 to vector<16xf32>
        %select_n3A_596 = arith.select %ne3A_587, %get3A_593, %broadcast_in_dim3A_595 : vector<16xi1>, vector<16xf32>
        %add3A_597 = arith.addf %add3A_523, %select_n3A_596 : vector<16xf32>
        %and3A_598 = arith.constant 16843009 : i32
        %and3A_599 = vector.broadcast %and3A_598 : i32 to vector<16xi32>
        %and3A_600 = arith.andi %get3A_533, %and3A_599 : vector<16xi32>
        %add3A_601 = arith.addi %add3A_527, %and3A_600 : vector<16xi32>
        scf.yield %add3A_549, %add3A_565, %add3A_581, %add3A_597, %add3A_601 : vector<16xf32>, vector<16xf32>, vector<16xf32>, vector<16xf32>, vector<16xi32>
      }
      %scan3A_313 = arith.constant 64 : i32
      %and3A_314 = arith.constant 255 : i32
      %and3A_315 = vector.broadcast %and3A_314 : i32 to vector<16xi32>
      %and3A_316 = arith.andi %scan3A_312#4, %and3A_315 : vector<16xi32>
      %add3A_317 = arith.addi %add3A_258, %and3A_316 : vector<16xi32>
      %shift_right_arithmetic3A_318 = arith.constant 8 : i32
      %shift_right_arithmetic3A_319 = vector.broadcast %shift_right_arithmetic3A_318 : i32 to vector<16xi32>
      %shift_right_arithmetic3A_320 = arith.shrsi %scan3A_312#4, %shift_right_arithmetic3A_319 : vector<16xi32>
      %and3A_321 = arith.constant 255 : i32
      %and3A_322 = vector.broadcast %and3A_321 : i32 to vector<16xi32>
      %and3A_323 = arith.andi %shift_right_arithmetic3A_320, %and3A_322 : vector<16xi32>
      %add3A_324 = arith.addi %add3A_317, %and3A_323 : vector<16xi32>
      %shift_right_arithmetic3A_325 = arith.constant 16 : i32
      %shift_right_arithmetic3A_326 = vector.broadcast %shift_right_arithmetic3A_325 : i32 to vector<16xi32>
      %shift_right_arithmetic3A_327 = arith.shrsi %scan3A_312#4, %shift_right_arithmetic3A_326 : vector<16xi32>
      %and3A_328 = arith.constant 255 : i32
      %and3A_329 = vector.broadcast %and3A_328 : i32 to vector<16xi32>
      %and3A_330 = arith.andi %shift_right_arithmetic3A_327, %and3A_329 : vector<16xi32>
      %add3A_331 = arith.addi %add3A_324, %and3A_330 : vector<16xi32>
      %shift_right_arithmetic3A_332 = arith.constant 24 : i32
      %shift_right_arithmetic3A_333 = vector.broadcast %shift_right_arithmetic3A_332 : i32 to vector<16xi32>
      %shift_right_arithmetic3A_334 = arith.shrsi %scan3A_312#4, %shift_right_arithmetic3A_333 : vector<16xi32>
      %and3A_335 = arith.constant 255 : i32
      %and3A_336 = vector.broadcast %and3A_335 : i32 to vector<16xi32>
      %and3A_337 = arith.andi %shift_right_arithmetic3A_334, %and3A_336 : vector<16xi32>
      %add3A_338 = arith.addi %add3A_331, %and3A_337 : vector<16xi32>
      %broadcast_in_dim3A_339 = arith.constant 0 : i32
      %broadcast_in_dim3A_340 = vector.broadcast %broadcast_in_dim3A_339 : i32 to vector<16xi32>
      %scan3A_341 = arith.constant 0 : i32
      %scan3A_342 = arith.constant 64 : i32
      %scan3A_343 = arith.addi %scan3A_341, %scan3A_342 : i32
      %scan3A_344 = arith.constant 1 : i32
      %scan3A_345:5 = scf.for %scan3A_445 = %scan3A_341 to %scan3A_343 step %scan3A_344 iter_args(%scan3A_446 = %scan3A_312#0, %scan3A_447 = %scan3A_312#1, %scan3A_448 = %scan3A_312#2, %scan3A_449 = %scan3A_312#3, %scan3A_450 = %broadcast_in_dim3A_340) -> (vector<16xf32>, vector<16xf32>, vector<16xf32>, vector<16xf32>, vector<16xi32>)  : i32 {
        %mul3A_451 = arith.constant 16 : i32
        %mul3A_452 = arith.muli %scan3A_445, %mul3A_451 : i32
        %add3A_453 = arith.constant 2048 : i32
        %add3A_454 = arith.addi %add3A_453, %mul3A_452 : i32
        %add3A_455 = arith.constant 0 : i32
        %add3A_456 = arith.addi %add3A_454, %add3A_455 : i32
        %get3A = arith.constant 0 : i32
        %get3A_457 = arith.index_cast %get3A : i32 to index
        %get3A_458 = arith.index_cast %add3A_456 : i32 to index
        %get3A_459 = tpu.vector_load %arg9[%get3A_457, %get3A_458] {strides = array<i32>} : memref<2x4096xi32, #tpu.memory_space<vmem>>, vector<16xi32>,
        %and3A_460 = arith.constant 1 : i32
        %and3A_461 = vector.broadcast %and3A_460 : i32 to vector<16xi32>
        %and3A_462 = arith.andi %get3A_459, %and3A_461 : vector<16xi32>
        %ne3A_463 = arith.constant 0 : i32
        %ne3A_464 = vector.broadcast %ne3A_463 : i32 to vector<16xi32>
        %ne3A_465 = arith.cmpi ne, %and3A_462, %ne3A_464 : vector<16xi32>
        %add3A_466 = arith.constant 0 : i32
        %add3A_467 = arith.addi %add3A_454, %add3A_466 : i32
        %get3A_468 = arith.constant 0 : i32
        %get3A_469 = arith.index_cast %get3A_468 : i32 to index
        %get3A_470 = arith.index_cast %add3A_467 : i32 to index
        %get3A_471 = tpu.vector_load %arg7[%get3A_469, %get3A_470] {strides = array<i32>} : memref<8x4096xf32, #tpu.memory_space<vmem>>, vector<16xf32>,
        %jit3A_472 = arith.constant 0.000000e+00 : f32
        %broadcast_in_dim3A_473 = vector.broadcast %jit3A_472 : f32 to vector<16xf32>
        %select_n3A_474 = arith.select %ne3A_465, %get3A_471, %broadcast_in_dim3A_473 : vector<16xi1>, vector<16xf32>
        %add3A_475 = arith.addf %scan3A_446, %select_n3A_474 : vector<16xf32>
        %and3A_476 = arith.constant 256 : i32
        %and3A_477 = vector.broadcast %and3A_476 : i32 to vector<16xi32>
        %and3A_478 = arith.andi %get3A_459, %and3A_477 : vector<16xi32>
        %ne3A_479 = arith.constant 0 : i32
        %ne3A_480 = vector.broadcast %ne3A_479 : i32 to vector<16xi32>
        %ne3A_481 = arith.cmpi ne, %and3A_478, %ne3A_480 : vector<16xi32>
        %add3A_482 = arith.constant 0 : i32
        %add3A_483 = arith.addi %add3A_454, %add3A_482 : i32
        %get3A_484 = arith.constant 1 : i32
        %get3A_485 = arith.index_cast %get3A_484 : i32 to index
        %get3A_486 = arith.index_cast %add3A_483 : i32 to index
        %get3A_487 = tpu.vector_load %arg7[%get3A_485, %get3A_486] {strides = array<i32>} : memref<8x4096xf32, #tpu.memory_space<vmem>>, vector<16xf32>,
        %jit3A_488 = arith.constant 0.000000e+00 : f32
        %broadcast_in_dim3A_489 = vector.broadcast %jit3A_488 : f32 to vector<16xf32>
        %select_n3A_490 = arith.select %ne3A_481, %get3A_487, %broadcast_in_dim3A_489 : vector<16xi1>, vector<16xf32>
        %add3A_491 = arith.addf %scan3A_447, %select_n3A_490 : vector<16xf32>
        %and3A_492 = arith.constant 65536 : i32
        %and3A_493 = vector.broadcast %and3A_492 : i32 to vector<16xi32>
        %and3A_494 = arith.andi %get3A_459, %and3A_493 : vector<16xi32>
        %ne3A_495 = arith.constant 0 : i32
        %ne3A_496 = vector.broadcast %ne3A_495 : i32 to vector<16xi32>
        %ne3A_497 = arith.cmpi ne, %and3A_494, %ne3A_496 : vector<16xi32>
        %add3A_498 = arith.constant 0 : i32
        %add3A_499 = arith.addi %add3A_454, %add3A_498 : i32
        %get3A_500 = arith.constant 2 : i32
        %get3A_501 = arith.index_cast %get3A_500 : i32 to index
        %get3A_502 = arith.index_cast %add3A_499 : i32 to index
        %get3A_503 = tpu.vector_load %arg7[%get3A_501, %get3A_502] {strides = array<i32>} : memref<8x4096xf32, #tpu.memory_space<vmem>>, vector<16xf32>,
        %jit3A_504 = arith.constant 0.000000e+00 : f32
        %broadcast_in_dim3A_505 = vector.broadcast %jit3A_504 : f32 to vector<16xf32>
        %select_n3A_506 = arith.select %ne3A_497, %get3A_503, %broadcast_in_dim3A_505 : vector<16xi1>, vector<16xf32>
        %add3A_507 = arith.addf %scan3A_448, %select_n3A_506 : vector<16xf32>
        %and3A_508 = arith.constant 16777216 : i32
        %and3A_509 = vector.broadcast %and3A_508 : i32 to vector<16xi32>
        %and3A_510 = arith.andi %get3A_459, %and3A_509 : vector<16xi32>
        %ne3A_511 = arith.constant 0 : i32
        %ne3A_512 = vector.broadcast %ne3A_511 : i32 to vector<16xi32>
        %ne3A_513 = arith.cmpi ne, %and3A_510, %ne3A_512 : vector<16xi32>
        %add3A_514 = arith.constant 0 : i32
        %add3A_515 = arith.addi %add3A_454, %add3A_514 : i32
        %get3A_516 = arith.constant 3 : i32
        %get3A_517 = arith.index_cast %get3A_516 : i32 to index
        %get3A_518 = arith.index_cast %add3A_515 : i32 to index
        %get3A_519 = tpu.vector_load %arg7[%get3A_517, %get3A_518] {strides = array<i32>} : memref<8x4096xf32, #tpu.memory_space<vmem>>, vector<16xf32>,
        %jit3A_520 = arith.constant 0.000000e+00 : f32
        %broadcast_in_dim3A_521 = vector.broadcast %jit3A_520 : f32 to vector<16xf32>
        %select_n3A_522 = arith.select %ne3A_513, %get3A_519, %broadcast_in_dim3A_521 : vector<16xi1>, vector<16xf32>
        %add3A_523 = arith.addf %scan3A_449, %select_n3A_522 : vector<16xf32>
        %and3A_524 = arith.constant 16843009 : i32
        %and3A_525 = vector.broadcast %and3A_524 : i32 to vector<16xi32>
        %and3A_526 = arith.andi %get3A_459, %and3A_525 : vector<16xi32>
        %add3A_527 = arith.addi %scan3A_450, %and3A_526 : vector<16xi32>
        %add3A_528 = arith.constant 1024 : i32
        %add3A_529 = arith.addi %add3A_454, %add3A_528 : i32
        %get3A_530 = arith.constant 0 : i32
        %get3A_531 = arith.index_cast %get3A_530 : i32 to index
        %get3A_532 = arith.index_cast %add3A_529 : i32 to index
        %get3A_533 = tpu.vector_load %arg9[%get3A_531, %get3A_532] {strides = array<i32>} : memref<2x4096xi32, #tpu.memory_space<vmem>>, vector<16xi32>,
        %and3A_534 = arith.constant 1 : i32
        %and3A_535 = vector.broadcast %and3A_534 : i32 to vector<16xi32>
        %and3A_536 = arith.andi %get3A_533, %and3A_535 : vector<16xi32>
        %ne3A_537 = arith.constant 0 : i32
        %ne3A_538 = vector.broadcast %ne3A_537 : i32 to vector<16xi32>
        %ne3A_539 = arith.cmpi ne, %and3A_536, %ne3A_538 : vector<16xi32>
        %add3A_540 = arith.constant 1024 : i32
        %add3A_541 = arith.addi %add3A_454, %add3A_540 : i32
        %get3A_542 = arith.constant 0 : i32
        %get3A_543 = arith.index_cast %get3A_542 : i32 to index
        %get3A_544 = arith.index_cast %add3A_541 : i32 to index
        %get3A_545 = tpu.vector_load %arg7[%get3A_543, %get3A_544] {strides = array<i32>} : memref<8x4096xf32, #tpu.memory_space<vmem>>, vector<16xf32>,
        %jit3A_546 = arith.constant 0.000000e+00 : f32
        %broadcast_in_dim3A_547 = vector.broadcast %jit3A_546 : f32 to vector<16xf32>
        %select_n3A_548 = arith.select %ne3A_539, %get3A_545, %broadcast_in_dim3A_547 : vector<16xi1>, vector<16xf32>
        %add3A_549 = arith.addf %add3A_475, %select_n3A_548 : vector<16xf32>
        %and3A_550 = arith.constant 256 : i32
        %and3A_551 = vector.broadcast %and3A_550 : i32 to vector<16xi32>
        %and3A_552 = arith.andi %get3A_533, %and3A_551 : vector<16xi32>
        %ne3A_553 = arith.constant 0 : i32
        %ne3A_554 = vector.broadcast %ne3A_553 : i32 to vector<16xi32>
        %ne3A_555 = arith.cmpi ne, %and3A_552, %ne3A_554 : vector<16xi32>
        %add3A_556 = arith.constant 1024 : i32
        %add3A_557 = arith.addi %add3A_454, %add3A_556 : i32
        %get3A_558 = arith.constant 1 : i32
        %get3A_559 = arith.index_cast %get3A_558 : i32 to index
        %get3A_560 = arith.index_cast %add3A_557 : i32 to index
        %get3A_561 = tpu.vector_load %arg7[%get3A_559, %get3A_560] {strides = array<i32>} : memref<8x4096xf32, #tpu.memory_space<vmem>>, vector<16xf32>,
        %jit3A_562 = arith.constant 0.000000e+00 : f32
        %broadcast_in_dim3A_563 = vector.broadcast %jit3A_562 : f32 to vector<16xf32>
        %select_n3A_564 = arith.select %ne3A_555, %get3A_561, %broadcast_in_dim3A_563 : vector<16xi1>, vector<16xf32>
        %add3A_565 = arith.addf %add3A_491, %select_n3A_564 : vector<16xf32>
        %and3A_566 = arith.constant 65536 : i32
        %and3A_567 = vector.broadcast %and3A_566 : i32 to vector<16xi32>
        %and3A_568 = arith.andi %get3A_533, %and3A_567 : vector<16xi32>
        %ne3A_569 = arith.constant 0 : i32
        %ne3A_570 = vector.broadcast %ne3A_569 : i32 to vector<16xi32>
        %ne3A_571 = arith.cmpi ne, %and3A_568, %ne3A_570 : vector<16xi32>
        %add3A_572 = arith.constant 1024 : i32
        %add3A_573 = arith.addi %add3A_454, %add3A_572 : i32
        %get3A_574 = arith.constant 2 : i32
        %get3A_575 = arith.index_cast %get3A_574 : i32 to index
        %get3A_576 = arith.index_cast %add3A_573 : i32 to index
        %get3A_577 = tpu.vector_load %arg7[%get3A_575, %get3A_576] {strides = array<i32>} : memref<8x4096xf32, #tpu.memory_space<vmem>>, vector<16xf32>,
        %jit3A_578 = arith.constant 0.000000e+00 : f32
        %broadcast_in_dim3A_579 = vector.broadcast %jit3A_578 : f32 to vector<16xf32>
        %select_n3A_580 = arith.select %ne3A_571, %get3A_577, %broadcast_in_dim3A_579 : vector<16xi1>, vector<16xf32>
        %add3A_581 = arith.addf %add3A_507, %select_n3A_580 : vector<16xf32>
        %and3A_582 = arith.constant 16777216 : i32
        %and3A_583 = vector.broadcast %and3A_582 : i32 to vector<16xi32>
        %and3A_584 = arith.andi %get3A_533, %and3A_583 : vector<16xi32>
        %ne3A_585 = arith.constant 0 : i32
        %ne3A_586 = vector.broadcast %ne3A_585 : i32 to vector<16xi32>
        %ne3A_587 = arith.cmpi ne, %and3A_584, %ne3A_586 : vector<16xi32>
        %add3A_588 = arith.constant 1024 : i32
        %add3A_589 = arith.addi %add3A_454, %add3A_588 : i32
        %get3A_590 = arith.constant 3 : i32
        %get3A_591 = arith.index_cast %get3A_590 : i32 to index
        %get3A_592 = arith.index_cast %add3A_589 : i32 to index
        %get3A_593 = tpu.vector_load %arg7[%get3A_591, %get3A_592] {strides = array<i32>} : memref<8x4096xf32, #tpu.memory_space<vmem>>, vector<16xf32>,
        %jit3A_594 = arith.constant 0.000000e+00 : f32
        %broadcast_in_dim3A_595 = vector.broadcast %jit3A_594 : f32 to vector<16xf32>
        %select_n3A_596 = arith.select %ne3A_587, %get3A_593, %broadcast_in_dim3A_595 : vector<16xi1>, vector<16xf32>
        %add3A_597 = arith.addf %add3A_523, %select_n3A_596 : vector<16xf32>
        %and3A_598 = arith.constant 16843009 : i32
        %and3A_599 = vector.broadcast %and3A_598 : i32 to vector<16xi32>
        %and3A_600 = arith.andi %get3A_533, %and3A_599 : vector<16xi32>
        %add3A_601 = arith.addi %add3A_527, %and3A_600 : vector<16xi32>
        scf.yield %add3A_549, %add3A_565, %add3A_581, %add3A_597, %add3A_601 : vector<16xf32>, vector<16xf32>, vector<16xf32>, vector<16xf32>, vector<16xi32>
      }
      %scan3A_346 = arith.constant 64 : i32
      %and3A_347 = arith.constant 255 : i32
      %and3A_348 = vector.broadcast %and3A_347 : i32 to vector<16xi32>
      %and3A_349 = arith.andi %scan3A_345#4, %and3A_348 : vector<16xi32>
      %add3A_350 = arith.addi %add3A_338, %and3A_349 : vector<16xi32>
      %shift_right_arithmetic3A_351 = arith.constant 8 : i32
      %shift_right_arithmetic3A_352 = vector.broadcast %shift_right_arithmetic3A_351 : i32 to vector<16xi32>
      %shift_right_arithmetic3A_353 = arith.shrsi %scan3A_345#4, %shift_right_arithmetic3A_352 : vector<16xi32>
      %and3A_354 = arith.constant 255 : i32
      %and3A_355 = vector.broadcast %and3A_354 : i32 to vector<16xi32>
      %and3A_356 = arith.andi %shift_right_arithmetic3A_353, %and3A_355 : vector<16xi32>
      %add3A_357 = arith.addi %add3A_350, %and3A_356 : vector<16xi32>
      %shift_right_arithmetic3A_358 = arith.constant 16 : i32
      %shift_right_arithmetic3A_359 = vector.broadcast %shift_right_arithmetic3A_358 : i32 to vector<16xi32>
      %shift_right_arithmetic3A_360 = arith.shrsi %scan3A_345#4, %shift_right_arithmetic3A_359 : vector<16xi32>
      %and3A_361 = arith.constant 255 : i32
      %and3A_362 = vector.broadcast %and3A_361 : i32 to vector<16xi32>
      %and3A_363 = arith.andi %shift_right_arithmetic3A_360, %and3A_362 : vector<16xi32>
      %add3A_364 = arith.addi %add3A_357, %and3A_363 : vector<16xi32>
      %shift_right_arithmetic3A_365 = arith.constant 24 : i32
      %shift_right_arithmetic3A_366 = vector.broadcast %shift_right_arithmetic3A_365 : i32 to vector<16xi32>
      %shift_right_arithmetic3A_367 = arith.shrsi %scan3A_345#4, %shift_right_arithmetic3A_366 : vector<16xi32>
      %and3A_368 = arith.constant 255 : i32
      %and3A_369 = vector.broadcast %and3A_368 : i32 to vector<16xi32>
      %and3A_370 = arith.andi %shift_right_arithmetic3A_367, %and3A_369 : vector<16xi32>
      %add3A_371 = arith.addi %add3A_364, %and3A_370 : vector<16xi32>
      %broadcast_in_dim3A_372 = arith.constant 0 : i32
      %broadcast_in_dim3A_373 = vector.broadcast %broadcast_in_dim3A_372 : i32 to vector<16xi32>
      %scan3A_374 = arith.constant 0 : i32
      %scan3A_375 = arith.constant 64 : i32
      %scan3A_376 = arith.addi %scan3A_374, %scan3A_375 : i32
      %scan3A_377 = arith.constant 1 : i32
      %scan3A_378:5 = scf.for %scan3A_445 = %scan3A_374 to %scan3A_376 step %scan3A_377 iter_args(%scan3A_446 = %scan3A_345#0, %scan3A_447 = %scan3A_345#1, %scan3A_448 = %scan3A_345#2, %scan3A_449 = %scan3A_345#3, %scan3A_450 = %broadcast_in_dim3A_373) -> (vector<16xf32>, vector<16xf32>, vector<16xf32>, vector<16xf32>, vector<16xi32>)  : i32 {
        %mul3A_451 = arith.constant 16 : i32
        %mul3A_452 = arith.muli %scan3A_445, %mul3A_451 : i32
        %add3A_453 = arith.constant 0 : i32
        %add3A_454 = arith.addi %add3A_453, %mul3A_452 : i32
        %add3A_455 = arith.constant 0 : i32
        %add3A_456 = arith.addi %add3A_454, %add3A_455 : i32
        %get3A = arith.constant 1 : i32
        %get3A_457 = arith.index_cast %get3A : i32 to index
        %get3A_458 = arith.index_cast %add3A_456 : i32 to index
        %get3A_459 = tpu.vector_load %arg9[%get3A_457, %get3A_458] {strides = array<i32>} : memref<2x4096xi32, #tpu.memory_space<vmem>>, vector<16xi32>,
        %and3A_460 = arith.constant 1 : i32
        %and3A_461 = vector.broadcast %and3A_460 : i32 to vector<16xi32>
        %and3A_462 = arith.andi %get3A_459, %and3A_461 : vector<16xi32>
        %ne3A_463 = arith.constant 0 : i32
        %ne3A_464 = vector.broadcast %ne3A_463 : i32 to vector<16xi32>
        %ne3A_465 = arith.cmpi ne, %and3A_462, %ne3A_464 : vector<16xi32>
        %add3A_466 = arith.constant 0 : i32
        %add3A_467 = arith.addi %add3A_454, %add3A_466 : i32
        %get3A_468 = arith.constant 4 : i32
        %get3A_469 = arith.index_cast %get3A_468 : i32 to index
        %get3A_470 = arith.index_cast %add3A_467 : i32 to index
        %get3A_471 = tpu.vector_load %arg7[%get3A_469, %get3A_470] {strides = array<i32>} : memref<8x4096xf32, #tpu.memory_space<vmem>>, vector<16xf32>,
        %jit3A_472 = arith.constant 0.000000e+00 : f32
        %broadcast_in_dim3A_473 = vector.broadcast %jit3A_472 : f32 to vector<16xf32>
        %select_n3A_474 = arith.select %ne3A_465, %get3A_471, %broadcast_in_dim3A_473 : vector<16xi1>, vector<16xf32>
        %add3A_475 = arith.addf %scan3A_446, %select_n3A_474 : vector<16xf32>
        %and3A_476 = arith.constant 256 : i32
        %and3A_477 = vector.broadcast %and3A_476 : i32 to vector<16xi32>
        %and3A_478 = arith.andi %get3A_459, %and3A_477 : vector<16xi32>
        %ne3A_479 = arith.constant 0 : i32
        %ne3A_480 = vector.broadcast %ne3A_479 : i32 to vector<16xi32>
        %ne3A_481 = arith.cmpi ne, %and3A_478, %ne3A_480 : vector<16xi32>
        %add3A_482 = arith.constant 0 : i32
        %add3A_483 = arith.addi %add3A_454, %add3A_482 : i32
        %get3A_484 = arith.constant 5 : i32
        %get3A_485 = arith.index_cast %get3A_484 : i32 to index
        %get3A_486 = arith.index_cast %add3A_483 : i32 to index
        %get3A_487 = tpu.vector_load %arg7[%get3A_485, %get3A_486] {strides = array<i32>} : memref<8x4096xf32, #tpu.memory_space<vmem>>, vector<16xf32>,
        %jit3A_488 = arith.constant 0.000000e+00 : f32
        %broadcast_in_dim3A_489 = vector.broadcast %jit3A_488 : f32 to vector<16xf32>
        %select_n3A_490 = arith.select %ne3A_481, %get3A_487, %broadcast_in_dim3A_489 : vector<16xi1>, vector<16xf32>
        %add3A_491 = arith.addf %scan3A_447, %select_n3A_490 : vector<16xf32>
        %and3A_492 = arith.constant 65536 : i32
        %and3A_493 = vector.broadcast %and3A_492 : i32 to vector<16xi32>
        %and3A_494 = arith.andi %get3A_459, %and3A_493 : vector<16xi32>
        %ne3A_495 = arith.constant 0 : i32
        %ne3A_496 = vector.broadcast %ne3A_495 : i32 to vector<16xi32>
        %ne3A_497 = arith.cmpi ne, %and3A_494, %ne3A_496 : vector<16xi32>
        %add3A_498 = arith.constant 0 : i32
        %add3A_499 = arith.addi %add3A_454, %add3A_498 : i32
        %get3A_500 = arith.constant 6 : i32
        %get3A_501 = arith.index_cast %get3A_500 : i32 to index
        %get3A_502 = arith.index_cast %add3A_499 : i32 to index
        %get3A_503 = tpu.vector_load %arg7[%get3A_501, %get3A_502] {strides = array<i32>} : memref<8x4096xf32, #tpu.memory_space<vmem>>, vector<16xf32>,
        %jit3A_504 = arith.constant 0.000000e+00 : f32
        %broadcast_in_dim3A_505 = vector.broadcast %jit3A_504 : f32 to vector<16xf32>
        %select_n3A_506 = arith.select %ne3A_497, %get3A_503, %broadcast_in_dim3A_505 : vector<16xi1>, vector<16xf32>
        %add3A_507 = arith.addf %scan3A_448, %select_n3A_506 : vector<16xf32>
        %and3A_508 = arith.constant 16777216 : i32
        %and3A_509 = vector.broadcast %and3A_508 : i32 to vector<16xi32>
        %and3A_510 = arith.andi %get3A_459, %and3A_509 : vector<16xi32>
        %ne3A_511 = arith.constant 0 : i32
        %ne3A_512 = vector.broadcast %ne3A_511 : i32 to vector<16xi32>
        %ne3A_513 = arith.cmpi ne, %and3A_510, %ne3A_512 : vector<16xi32>
        %add3A_514 = arith.constant 0 : i32
        %add3A_515 = arith.addi %add3A_454, %add3A_514 : i32
        %get3A_516 = arith.constant 7 : i32
        %get3A_517 = arith.index_cast %get3A_516 : i32 to index
        %get3A_518 = arith.index_cast %add3A_515 : i32 to index
        %get3A_519 = tpu.vector_load %arg7[%get3A_517, %get3A_518] {strides = array<i32>} : memref<8x4096xf32, #tpu.memory_space<vmem>>, vector<16xf32>,
        %jit3A_520 = arith.constant 0.000000e+00 : f32
        %broadcast_in_dim3A_521 = vector.broadcast %jit3A_520 : f32 to vector<16xf32>
        %select_n3A_522 = arith.select %ne3A_513, %get3A_519, %broadcast_in_dim3A_521 : vector<16xi1>, vector<16xf32>
        %add3A_523 = arith.addf %scan3A_449, %select_n3A_522 : vector<16xf32>
        %and3A_524 = arith.constant 16843009 : i32
        %and3A_525 = vector.broadcast %and3A_524 : i32 to vector<16xi32>
        %and3A_526 = arith.andi %get3A_459, %and3A_525 : vector<16xi32>
        %add3A_527 = arith.addi %scan3A_450, %and3A_526 : vector<16xi32>
        %add3A_528 = arith.constant 1024 : i32
        %add3A_529 = arith.addi %add3A_454, %add3A_528 : i32
        %get3A_530 = arith.constant 1 : i32
        %get3A_531 = arith.index_cast %get3A_530 : i32 to index
        %get3A_532 = arith.index_cast %add3A_529 : i32 to index
        %get3A_533 = tpu.vector_load %arg9[%get3A_531, %get3A_532] {strides = array<i32>} : memref<2x4096xi32, #tpu.memory_space<vmem>>, vector<16xi32>,
        %and3A_534 = arith.constant 1 : i32
        %and3A_535 = vector.broadcast %and3A_534 : i32 to vector<16xi32>
        %and3A_536 = arith.andi %get3A_533, %and3A_535 : vector<16xi32>
        %ne3A_537 = arith.constant 0 : i32
        %ne3A_538 = vector.broadcast %ne3A_537 : i32 to vector<16xi32>
        %ne3A_539 = arith.cmpi ne, %and3A_536, %ne3A_538 : vector<16xi32>
        %add3A_540 = arith.constant 1024 : i32
        %add3A_541 = arith.addi %add3A_454, %add3A_540 : i32
        %get3A_542 = arith.constant 4 : i32
        %get3A_543 = arith.index_cast %get3A_542 : i32 to index
        %get3A_544 = arith.index_cast %add3A_541 : i32 to index
        %get3A_545 = tpu.vector_load %arg7[%get3A_543, %get3A_544] {strides = array<i32>} : memref<8x4096xf32, #tpu.memory_space<vmem>>, vector<16xf32>,
        %jit3A_546 = arith.constant 0.000000e+00 : f32
        %broadcast_in_dim3A_547 = vector.broadcast %jit3A_546 : f32 to vector<16xf32>
        %select_n3A_548 = arith.select %ne3A_539, %get3A_545, %broadcast_in_dim3A_547 : vector<16xi1>, vector<16xf32>
        %add3A_549 = arith.addf %add3A_475, %select_n3A_548 : vector<16xf32>
        %and3A_550 = arith.constant 256 : i32
        %and3A_551 = vector.broadcast %and3A_550 : i32 to vector<16xi32>
        %and3A_552 = arith.andi %get3A_533, %and3A_551 : vector<16xi32>
        %ne3A_553 = arith.constant 0 : i32
        %ne3A_554 = vector.broadcast %ne3A_553 : i32 to vector<16xi32>
        %ne3A_555 = arith.cmpi ne, %and3A_552, %ne3A_554 : vector<16xi32>
        %add3A_556 = arith.constant 1024 : i32
        %add3A_557 = arith.addi %add3A_454, %add3A_556 : i32
        %get3A_558 = arith.constant 5 : i32
        %get3A_559 = arith.index_cast %get3A_558 : i32 to index
        %get3A_560 = arith.index_cast %add3A_557 : i32 to index
        %get3A_561 = tpu.vector_load %arg7[%get3A_559, %get3A_560] {strides = array<i32>} : memref<8x4096xf32, #tpu.memory_space<vmem>>, vector<16xf32>,
        %jit3A_562 = arith.constant 0.000000e+00 : f32
        %broadcast_in_dim3A_563 = vector.broadcast %jit3A_562 : f32 to vector<16xf32>
        %select_n3A_564 = arith.select %ne3A_555, %get3A_561, %broadcast_in_dim3A_563 : vector<16xi1>, vector<16xf32>
        %add3A_565 = arith.addf %add3A_491, %select_n3A_564 : vector<16xf32>
        %and3A_566 = arith.constant 65536 : i32
        %and3A_567 = vector.broadcast %and3A_566 : i32 to vector<16xi32>
        %and3A_568 = arith.andi %get3A_533, %and3A_567 : vector<16xi32>
        %ne3A_569 = arith.constant 0 : i32
        %ne3A_570 = vector.broadcast %ne3A_569 : i32 to vector<16xi32>
        %ne3A_571 = arith.cmpi ne, %and3A_568, %ne3A_570 : vector<16xi32>
        %add3A_572 = arith.constant 1024 : i32
        %add3A_573 = arith.addi %add3A_454, %add3A_572 : i32
        %get3A_574 = arith.constant 6 : i32
        %get3A_575 = arith.index_cast %get3A_574 : i32 to index
        %get3A_576 = arith.index_cast %add3A_573 : i32 to index
        %get3A_577 = tpu.vector_load %arg7[%get3A_575, %get3A_576] {strides = array<i32>} : memref<8x4096xf32, #tpu.memory_space<vmem>>, vector<16xf32>,
        %jit3A_578 = arith.constant 0.000000e+00 : f32
        %broadcast_in_dim3A_579 = vector.broadcast %jit3A_578 : f32 to vector<16xf32>
        %select_n3A_580 = arith.select %ne3A_571, %get3A_577, %broadcast_in_dim3A_579 : vector<16xi1>, vector<16xf32>
        %add3A_581 = arith.addf %add3A_507, %select_n3A_580 : vector<16xf32>
        %and3A_582 = arith.constant 16777216 : i32
        %and3A_583 = vector.broadcast %and3A_582 : i32 to vector<16xi32>
        %and3A_584 = arith.andi %get3A_533, %and3A_583 : vector<16xi32>
        %ne3A_585 = arith.constant 0 : i32
        %ne3A_586 = vector.broadcast %ne3A_585 : i32 to vector<16xi32>
        %ne3A_587 = arith.cmpi ne, %and3A_584, %ne3A_586 : vector<16xi32>
        %add3A_588 = arith.constant 1024 : i32
        %add3A_589 = arith.addi %add3A_454, %add3A_588 : i32
        %get3A_590 = arith.constant 7 : i32
        %get3A_591 = arith.index_cast %get3A_590 : i32 to index
        %get3A_592 = arith.index_cast %add3A_589 : i32 to index
        %get3A_593 = tpu.vector_load %arg7[%get3A_591, %get3A_592] {strides = array<i32>} : memref<8x4096xf32, #tpu.memory_space<vmem>>, vector<16xf32>,
        %jit3A_594 = arith.constant 0.000000e+00 : f32
        %broadcast_in_dim3A_595 = vector.broadcast %jit3A_594 : f32 to vector<16xf32>
        %select_n3A_596 = arith.select %ne3A_587, %get3A_593, %broadcast_in_dim3A_595 : vector<16xi1>, vector<16xf32>
        %add3A_597 = arith.addf %add3A_523, %select_n3A_596 : vector<16xf32>
        %and3A_598 = arith.constant 16843009 : i32
        %and3A_599 = vector.broadcast %and3A_598 : i32 to vector<16xi32>
        %and3A_600 = arith.andi %get3A_533, %and3A_599 : vector<16xi32>
        %add3A_601 = arith.addi %add3A_527, %and3A_600 : vector<16xi32>
        scf.yield %add3A_549, %add3A_565, %add3A_581, %add3A_597, %add3A_601 : vector<16xf32>, vector<16xf32>, vector<16xf32>, vector<16xf32>, vector<16xi32>
      }
      %scan3A_379 = arith.constant 64 : i32
      %and3A_380 = arith.constant 255 : i32
      %and3A_381 = vector.broadcast %and3A_380 : i32 to vector<16xi32>
      %and3A_382 = arith.andi %scan3A_378#4, %and3A_381 : vector<16xi32>
      %add3A_383 = arith.addi %add3A_371, %and3A_382 : vector<16xi32>
      %shift_right_arithmetic3A_384 = arith.constant 8 : i32
      %shift_right_arithmetic3A_385 = vector.broadcast %shift_right_arithmetic3A_384 : i32 to vector<16xi32>
      %shift_right_arithmetic3A_386 = arith.shrsi %scan3A_378#4, %shift_right_arithmetic3A_385 : vector<16xi32>
      %and3A_387 = arith.constant 255 : i32
      %and3A_388 = vector.broadcast %and3A_387 : i32 to vector<16xi32>
      %and3A_389 = arith.andi %shift_right_arithmetic3A_386, %and3A_388 : vector<16xi32>
      %add3A_390 = arith.addi %add3A_383, %and3A_389 : vector<16xi32>
      %shift_right_arithmetic3A_391 = arith.constant 16 : i32
      %shift_right_arithmetic3A_392 = vector.broadcast %shift_right_arithmetic3A_391 : i32 to vector<16xi32>
      %shift_right_arithmetic3A_393 = arith.shrsi %scan3A_378#4, %shift_right_arithmetic3A_392 : vector<16xi32>
      %and3A_394 = arith.constant 255 : i32
      %and3A_395 = vector.broadcast %and3A_394 : i32 to vector<16xi32>
      %and3A_396 = arith.andi %shift_right_arithmetic3A_393, %and3A_395 : vector<16xi32>
      %add3A_397 = arith.addi %add3A_390, %and3A_396 : vector<16xi32>
      %shift_right_arithmetic3A_398 = arith.constant 24 : i32
      %shift_right_arithmetic3A_399 = vector.broadcast %shift_right_arithmetic3A_398 : i32 to vector<16xi32>
      %shift_right_arithmetic3A_400 = arith.shrsi %scan3A_378#4, %shift_right_arithmetic3A_399 : vector<16xi32>
      %and3A_401 = arith.constant 255 : i32
      %and3A_402 = vector.broadcast %and3A_401 : i32 to vector<16xi32>
      %and3A_403 = arith.andi %shift_right_arithmetic3A_400, %and3A_402 : vector<16xi32>
      %add3A_404 = arith.addi %add3A_397, %and3A_403 : vector<16xi32>
      %broadcast_in_dim3A_405 = arith.constant 0 : i32
      %broadcast_in_dim3A_406 = vector.broadcast %broadcast_in_dim3A_405 : i32 to vector<16xi32>
      %scan3A_407 = arith.constant 0 : i32
      %scan3A_408 = arith.constant 64 : i32
      %scan3A_409 = arith.addi %scan3A_407, %scan3A_408 : i32
      %scan3A_410 = arith.constant 1 : i32
      %scan3A_411:5 = scf.for %scan3A_445 = %scan3A_407 to %scan3A_409 step %scan3A_410 iter_args(%scan3A_446 = %scan3A_378#0, %scan3A_447 = %scan3A_378#1, %scan3A_448 = %scan3A_378#2, %scan3A_449 = %scan3A_378#3, %scan3A_450 = %broadcast_in_dim3A_406) -> (vector<16xf32>, vector<16xf32>, vector<16xf32>, vector<16xf32>, vector<16xi32>)  : i32 {
        %mul3A_451 = arith.constant 16 : i32
        %mul3A_452 = arith.muli %scan3A_445, %mul3A_451 : i32
        %add3A_453 = arith.constant 2048 : i32
        %add3A_454 = arith.addi %add3A_453, %mul3A_452 : i32
        %add3A_455 = arith.constant 0 : i32
        %add3A_456 = arith.addi %add3A_454, %add3A_455 : i32
        %get3A = arith.constant 1 : i32
        %get3A_457 = arith.index_cast %get3A : i32 to index
        %get3A_458 = arith.index_cast %add3A_456 : i32 to index
        %get3A_459 = tpu.vector_load %arg9[%get3A_457, %get3A_458] {strides = array<i32>} : memref<2x4096xi32, #tpu.memory_space<vmem>>, vector<16xi32>,
        %and3A_460 = arith.constant 1 : i32
        %and3A_461 = vector.broadcast %and3A_460 : i32 to vector<16xi32>
        %and3A_462 = arith.andi %get3A_459, %and3A_461 : vector<16xi32>
        %ne3A_463 = arith.constant 0 : i32
        %ne3A_464 = vector.broadcast %ne3A_463 : i32 to vector<16xi32>
        %ne3A_465 = arith.cmpi ne, %and3A_462, %ne3A_464 : vector<16xi32>
        %add3A_466 = arith.constant 0 : i32
        %add3A_467 = arith.addi %add3A_454, %add3A_466 : i32
        %get3A_468 = arith.constant 4 : i32
        %get3A_469 = arith.index_cast %get3A_468 : i32 to index
        %get3A_470 = arith.index_cast %add3A_467 : i32 to index
        %get3A_471 = tpu.vector_load %arg7[%get3A_469, %get3A_470] {strides = array<i32>} : memref<8x4096xf32, #tpu.memory_space<vmem>>, vector<16xf32>,
        %jit3A_472 = arith.constant 0.000000e+00 : f32
        %broadcast_in_dim3A_473 = vector.broadcast %jit3A_472 : f32 to vector<16xf32>
        %select_n3A_474 = arith.select %ne3A_465, %get3A_471, %broadcast_in_dim3A_473 : vector<16xi1>, vector<16xf32>
        %add3A_475 = arith.addf %scan3A_446, %select_n3A_474 : vector<16xf32>
        %and3A_476 = arith.constant 256 : i32
        %and3A_477 = vector.broadcast %and3A_476 : i32 to vector<16xi32>
        %and3A_478 = arith.andi %get3A_459, %and3A_477 : vector<16xi32>
        %ne3A_479 = arith.constant 0 : i32
        %ne3A_480 = vector.broadcast %ne3A_479 : i32 to vector<16xi32>
        %ne3A_481 = arith.cmpi ne, %and3A_478, %ne3A_480 : vector<16xi32>
        %add3A_482 = arith.constant 0 : i32
        %add3A_483 = arith.addi %add3A_454, %add3A_482 : i32
        %get3A_484 = arith.constant 5 : i32
        %get3A_485 = arith.index_cast %get3A_484 : i32 to index
        %get3A_486 = arith.index_cast %add3A_483 : i32 to index
        %get3A_487 = tpu.vector_load %arg7[%get3A_485, %get3A_486] {strides = array<i32>} : memref<8x4096xf32, #tpu.memory_space<vmem>>, vector<16xf32>,
        %jit3A_488 = arith.constant 0.000000e+00 : f32
        %broadcast_in_dim3A_489 = vector.broadcast %jit3A_488 : f32 to vector<16xf32>
        %select_n3A_490 = arith.select %ne3A_481, %get3A_487, %broadcast_in_dim3A_489 : vector<16xi1>, vector<16xf32>
        %add3A_491 = arith.addf %scan3A_447, %select_n3A_490 : vector<16xf32>
        %and3A_492 = arith.constant 65536 : i32
        %and3A_493 = vector.broadcast %and3A_492 : i32 to vector<16xi32>
        %and3A_494 = arith.andi %get3A_459, %and3A_493 : vector<16xi32>
        %ne3A_495 = arith.constant 0 : i32
        %ne3A_496 = vector.broadcast %ne3A_495 : i32 to vector<16xi32>
        %ne3A_497 = arith.cmpi ne, %and3A_494, %ne3A_496 : vector<16xi32>
        %add3A_498 = arith.constant 0 : i32
        %add3A_499 = arith.addi %add3A_454, %add3A_498 : i32
        %get3A_500 = arith.constant 6 : i32
        %get3A_501 = arith.index_cast %get3A_500 : i32 to index
        %get3A_502 = arith.index_cast %add3A_499 : i32 to index
        %get3A_503 = tpu.vector_load %arg7[%get3A_501, %get3A_502] {strides = array<i32>} : memref<8x4096xf32, #tpu.memory_space<vmem>>, vector<16xf32>,
        %jit3A_504 = arith.constant 0.000000e+00 : f32
        %broadcast_in_dim3A_505 = vector.broadcast %jit3A_504 : f32 to vector<16xf32>
        %select_n3A_506 = arith.select %ne3A_497, %get3A_503, %broadcast_in_dim3A_505 : vector<16xi1>, vector<16xf32>
        %add3A_507 = arith.addf %scan3A_448, %select_n3A_506 : vector<16xf32>
        %and3A_508 = arith.constant 16777216 : i32
        %and3A_509 = vector.broadcast %and3A_508 : i32 to vector<16xi32>
        %and3A_510 = arith.andi %get3A_459, %and3A_509 : vector<16xi32>
        %ne3A_511 = arith.constant 0 : i32
        %ne3A_512 = vector.broadcast %ne3A_511 : i32 to vector<16xi32>
        %ne3A_513 = arith.cmpi ne, %and3A_510, %ne3A_512 : vector<16xi32>
        %add3A_514 = arith.constant 0 : i32
        %add3A_515 = arith.addi %add3A_454, %add3A_514 : i32
        %get3A_516 = arith.constant 7 : i32
        %get3A_517 = arith.index_cast %get3A_516 : i32 to index
        %get3A_518 = arith.index_cast %add3A_515 : i32 to index
        %get3A_519 = tpu.vector_load %arg7[%get3A_517, %get3A_518] {strides = array<i32>} : memref<8x4096xf32, #tpu.memory_space<vmem>>, vector<16xf32>,
        %jit3A_520 = arith.constant 0.000000e+00 : f32
        %broadcast_in_dim3A_521 = vector.broadcast %jit3A_520 : f32 to vector<16xf32>
        %select_n3A_522 = arith.select %ne3A_513, %get3A_519, %broadcast_in_dim3A_521 : vector<16xi1>, vector<16xf32>
        %add3A_523 = arith.addf %scan3A_449, %select_n3A_522 : vector<16xf32>
        %and3A_524 = arith.constant 16843009 : i32
        %and3A_525 = vector.broadcast %and3A_524 : i32 to vector<16xi32>
        %and3A_526 = arith.andi %get3A_459, %and3A_525 : vector<16xi32>
        %add3A_527 = arith.addi %scan3A_450, %and3A_526 : vector<16xi32>
        %add3A_528 = arith.constant 1024 : i32
        %add3A_529 = arith.addi %add3A_454, %add3A_528 : i32
        %get3A_530 = arith.constant 1 : i32
        %get3A_531 = arith.index_cast %get3A_530 : i32 to index
        %get3A_532 = arith.index_cast %add3A_529 : i32 to index
        %get3A_533 = tpu.vector_load %arg9[%get3A_531, %get3A_532] {strides = array<i32>} : memref<2x4096xi32, #tpu.memory_space<vmem>>, vector<16xi32>,
        %and3A_534 = arith.constant 1 : i32
        %and3A_535 = vector.broadcast %and3A_534 : i32 to vector<16xi32>
        %and3A_536 = arith.andi %get3A_533, %and3A_535 : vector<16xi32>
        %ne3A_537 = arith.constant 0 : i32
        %ne3A_538 = vector.broadcast %ne3A_537 : i32 to vector<16xi32>
        %ne3A_539 = arith.cmpi ne, %and3A_536, %ne3A_538 : vector<16xi32>
        %add3A_540 = arith.constant 1024 : i32
        %add3A_541 = arith.addi %add3A_454, %add3A_540 : i32
        %get3A_542 = arith.constant 4 : i32
        %get3A_543 = arith.index_cast %get3A_542 : i32 to index
        %get3A_544 = arith.index_cast %add3A_541 : i32 to index
        %get3A_545 = tpu.vector_load %arg7[%get3A_543, %get3A_544] {strides = array<i32>} : memref<8x4096xf32, #tpu.memory_space<vmem>>, vector<16xf32>,
        %jit3A_546 = arith.constant 0.000000e+00 : f32
        %broadcast_in_dim3A_547 = vector.broadcast %jit3A_546 : f32 to vector<16xf32>
        %select_n3A_548 = arith.select %ne3A_539, %get3A_545, %broadcast_in_dim3A_547 : vector<16xi1>, vector<16xf32>
        %add3A_549 = arith.addf %add3A_475, %select_n3A_548 : vector<16xf32>
        %and3A_550 = arith.constant 256 : i32
        %and3A_551 = vector.broadcast %and3A_550 : i32 to vector<16xi32>
        %and3A_552 = arith.andi %get3A_533, %and3A_551 : vector<16xi32>
        %ne3A_553 = arith.constant 0 : i32
        %ne3A_554 = vector.broadcast %ne3A_553 : i32 to vector<16xi32>
        %ne3A_555 = arith.cmpi ne, %and3A_552, %ne3A_554 : vector<16xi32>
        %add3A_556 = arith.constant 1024 : i32
        %add3A_557 = arith.addi %add3A_454, %add3A_556 : i32
        %get3A_558 = arith.constant 5 : i32
        %get3A_559 = arith.index_cast %get3A_558 : i32 to index
        %get3A_560 = arith.index_cast %add3A_557 : i32 to index
        %get3A_561 = tpu.vector_load %arg7[%get3A_559, %get3A_560] {strides = array<i32>} : memref<8x4096xf32, #tpu.memory_space<vmem>>, vector<16xf32>,
        %jit3A_562 = arith.constant 0.000000e+00 : f32
        %broadcast_in_dim3A_563 = vector.broadcast %jit3A_562 : f32 to vector<16xf32>
        %select_n3A_564 = arith.select %ne3A_555, %get3A_561, %broadcast_in_dim3A_563 : vector<16xi1>, vector<16xf32>
        %add3A_565 = arith.addf %add3A_491, %select_n3A_564 : vector<16xf32>
        %and3A_566 = arith.constant 65536 : i32
        %and3A_567 = vector.broadcast %and3A_566 : i32 to vector<16xi32>
        %and3A_568 = arith.andi %get3A_533, %and3A_567 : vector<16xi32>
        %ne3A_569 = arith.constant 0 : i32
        %ne3A_570 = vector.broadcast %ne3A_569 : i32 to vector<16xi32>
        %ne3A_571 = arith.cmpi ne, %and3A_568, %ne3A_570 : vector<16xi32>
        %add3A_572 = arith.constant 1024 : i32
        %add3A_573 = arith.addi %add3A_454, %add3A_572 : i32
        %get3A_574 = arith.constant 6 : i32
        %get3A_575 = arith.index_cast %get3A_574 : i32 to index
        %get3A_576 = arith.index_cast %add3A_573 : i32 to index
        %get3A_577 = tpu.vector_load %arg7[%get3A_575, %get3A_576] {strides = array<i32>} : memref<8x4096xf32, #tpu.memory_space<vmem>>, vector<16xf32>,
        %jit3A_578 = arith.constant 0.000000e+00 : f32
        %broadcast_in_dim3A_579 = vector.broadcast %jit3A_578 : f32 to vector<16xf32>
        %select_n3A_580 = arith.select %ne3A_571, %get3A_577, %broadcast_in_dim3A_579 : vector<16xi1>, vector<16xf32>
        %add3A_581 = arith.addf %add3A_507, %select_n3A_580 : vector<16xf32>
        %and3A_582 = arith.constant 16777216 : i32
        %and3A_583 = vector.broadcast %and3A_582 : i32 to vector<16xi32>
        %and3A_584 = arith.andi %get3A_533, %and3A_583 : vector<16xi32>
        %ne3A_585 = arith.constant 0 : i32
        %ne3A_586 = vector.broadcast %ne3A_585 : i32 to vector<16xi32>
        %ne3A_587 = arith.cmpi ne, %and3A_584, %ne3A_586 : vector<16xi32>
        %add3A_588 = arith.constant 1024 : i32
        %add3A_589 = arith.addi %add3A_454, %add3A_588 : i32
        %get3A_590 = arith.constant 7 : i32
        %get3A_591 = arith.index_cast %get3A_590 : i32 to index
        %get3A_592 = arith.index_cast %add3A_589 : i32 to index
        %get3A_593 = tpu.vector_load %arg7[%get3A_591, %get3A_592] {strides = array<i32>} : memref<8x4096xf32, #tpu.memory_space<vmem>>, vector<16xf32>,
        %jit3A_594 = arith.constant 0.000000e+00 : f32
        %broadcast_in_dim3A_595 = vector.broadcast %jit3A_594 : f32 to vector<16xf32>
        %select_n3A_596 = arith.select %ne3A_587, %get3A_593, %broadcast_in_dim3A_595 : vector<16xi1>, vector<16xf32>
        %add3A_597 = arith.addf %add3A_523, %select_n3A_596 : vector<16xf32>
        %and3A_598 = arith.constant 16843009 : i32
        %and3A_599 = vector.broadcast %and3A_598 : i32 to vector<16xi32>
        %and3A_600 = arith.andi %get3A_533, %and3A_599 : vector<16xi32>
        %add3A_601 = arith.addi %add3A_527, %and3A_600 : vector<16xi32>
        scf.yield %add3A_549, %add3A_565, %add3A_581, %add3A_597, %add3A_601 : vector<16xf32>, vector<16xf32>, vector<16xf32>, vector<16xf32>, vector<16xi32>
      }
      %scan3A_412 = arith.constant 64 : i32
      %and3A_413 = arith.constant 255 : i32
      %and3A_414 = vector.broadcast %and3A_413 : i32 to vector<16xi32>
      %and3A_415 = arith.andi %scan3A_411#4, %and3A_414 : vector<16xi32>
      %add3A_416 = arith.addi %add3A_404, %and3A_415 : vector<16xi32>
      %shift_right_arithmetic3A_417 = arith.constant 8 : i32
      %shift_right_arithmetic3A_418 = vector.broadcast %shift_right_arithmetic3A_417 : i32 to vector<16xi32>
      %shift_right_arithmetic3A_419 = arith.shrsi %scan3A_411#4, %shift_right_arithmetic3A_418 : vector<16xi32>
      %and3A_420 = arith.constant 255 : i32
      %and3A_421 = vector.broadcast %and3A_420 : i32 to vector<16xi32>
      %and3A_422 = arith.andi %shift_right_arithmetic3A_419, %and3A_421 : vector<16xi32>
      %add3A_423 = arith.addi %add3A_416, %and3A_422 : vector<16xi32>
      %shift_right_arithmetic3A_424 = arith.constant 16 : i32
      %shift_right_arithmetic3A_425 = vector.broadcast %shift_right_arithmetic3A_424 : i32 to vector<16xi32>
      %shift_right_arithmetic3A_426 = arith.shrsi %scan3A_411#4, %shift_right_arithmetic3A_425 : vector<16xi32>
      %and3A_427 = arith.constant 255 : i32
      %and3A_428 = vector.broadcast %and3A_427 : i32 to vector<16xi32>
      %and3A_429 = arith.andi %shift_right_arithmetic3A_426, %and3A_428 : vector<16xi32>
      %add3A_430 = arith.addi %add3A_423, %and3A_429 : vector<16xi32>
      %shift_right_arithmetic3A_431 = arith.constant 24 : i32
      %shift_right_arithmetic3A_432 = vector.broadcast %shift_right_arithmetic3A_431 : i32 to vector<16xi32>
      %shift_right_arithmetic3A_433 = arith.shrsi %scan3A_411#4, %shift_right_arithmetic3A_432 : vector<16xi32>
      %and3A_434 = arith.constant 255 : i32
      %and3A_435 = vector.broadcast %and3A_434 : i32 to vector<16xi32>
      %and3A_436 = arith.andi %shift_right_arithmetic3A_433, %and3A_435 : vector<16xi32>
      %add3A_437 = arith.addi %add3A_430, %and3A_436 : vector<16xi32>
      %add3A_438 = arith.constant 2 : i32
      %add3A_439 = arith.addi %add3A_267, %add3A_438 : i32
      %lt3A_440 = arith.constant 64 : i32
      %lt3A_441 = arith.cmpi slt, %add3A_439, %lt3A_440 : i32
      %convert_element_type3A_442 = arith.extui %lt3A_441 : i1 to i32
      %cond3A_443 = arith.constant 0 : i32
      %cond3A_444 = arith.cmpi ne, %convert_element_type3A_442, %cond3A_443 : i32
      scf.if %cond3A_444 {
        %add3A_445 = arith.constant 2 : i32
        %add3A_446 = arith.addi %add3A_267, %add3A_445 : i32
        %mul3A_447 = arith.constant 8 : i32
        %mul3A_448 = arith.muli %add3A_446, %mul3A_447 : i32
        %add3A_449 = arith.addi %mul3A_2, %mul3A_448 : i32
        %jit3A_450 = arith.constant 4 : i32
        %div3A_451 = arith.divsi %add3A_449, %jit3A_450 : i32
        %sign3A_452 = arith.constant 0 : i32
        %sign3A_453 = arith.cmpi sgt, %add3A_449, %sign3A_452 : i32
        %sign3A_454 = arith.extui %sign3A_453 : i1 to i32
        %sign3A_455 = arith.constant 0 : i32
        %sign3A_456 = arith.cmpi slt, %add3A_449, %sign3A_455 : i32
        %sign3A_457 = arith.extui %sign3A_456 : i1 to i32
        %sign3A_458 = arith.subi %sign3A_454, %sign3A_457 : i32
        %sign3A_459 = arith.constant 0 : i32
        %sign3A_460 = arith.cmpi sgt, %jit3A_450, %sign3A_459 : i32
        %sign3A_461 = arith.extui %sign3A_460 : i1 to i32
        %sign3A_462 = arith.constant 0 : i32
        %sign3A_463 = arith.cmpi slt, %jit3A_450, %sign3A_462 : i32
        %sign3A_464 = arith.extui %sign3A_463 : i1 to i32
        %sign3A_465 = arith.subi %sign3A_461, %sign3A_464 : i32
        %ne3A_466 = arith.cmpi ne, %sign3A_458, %sign3A_465 : i32
        %rem3A_467 = arith.remsi %add3A_449, %jit3A_450 : i32
        %ne3A_468 = arith.constant 0 : i32
        %ne3A_469 = arith.cmpi ne, %rem3A_467, %ne3A_468 : i32
        %and3A_470 = arith.andi %ne3A_466, %ne3A_469 : i1
        %sub3A_471 = arith.constant 1 : i32
        %sub3A_472 = arith.subi %div3A_451, %sub3A_471 : i32
        %select_n3A_473 = arith.select %and3A_470, %sub3A_472, %div3A_451 : i32
        %multiple_of3A_474 = tpu.assume_multiple %select_n3A_473, 2 : i32
        %dma_start3A_475 = arith.constant 0 : i32
        %dma_start3A_476 = tpu.memref_slice %arg2[%add3A_449, %dma_start3A_475] : memref<16384x4096xf32, #tpu.memory_space<hbm>> -> memref<8x4096xf32, #tpu.memory_space<hbm>>
        %dma_start3A_477 = arith.constant 0 : i32
        %dma_start3A_478 = tpu.memref_slice %arg2[%add3A_449, %dma_start3A_477] : memref<16384x4096xf32, #tpu.memory_space<hbm>> -> memref<8x4096xf32, #tpu.memory_space<hbm>>
        tpu.enqueue_dma source(%dma_start3A_478 : memref<8x4096xf32, #tpu.memory_space<hbm>>) target(%arg7 : memref<8x4096xf32, #tpu.memory_space<vmem>>) target_semaphore(%arg13 : memref<!tpu.dma_semaphore, #tpu.memory_space<semaphore_mem>>)
        %dma_start3A_479 = tpu.memref_bitcast %arg3 : memref<16384x4096xi8, #tpu.memory_space<hbm>> -> memref<4096x4096xi32, #tpu.memory_space<hbm>>
        %dma_start3A_480 = arith.constant 0 : i32
        %dma_start3A_481 = tpu.memref_slice %dma_start3A_479[%multiple_of3A_474, %dma_start3A_480] : memref<4096x4096xi32, #tpu.memory_space<hbm>> -> memref<2x4096xi32, #tpu.memory_space<hbm>>
        %dma_start3A_482 = tpu.memref_bitcast %arg3 : memref<16384x4096xi8, #tpu.memory_space<hbm>> -> memref<4096x4096xi32, #tpu.memory_space<hbm>>
        %dma_start3A_483 = arith.constant 0 : i32
        %dma_start3A_484 = tpu.memref_slice %dma_start3A_482[%multiple_of3A_474, %dma_start3A_483] : memref<4096x4096xi32, #tpu.memory_space<hbm>> -> memref<2x4096xi32, #tpu.memory_space<hbm>>
        tpu.enqueue_dma source(%dma_start3A_484 : memref<2x4096xi32, #tpu.memory_space<hbm>>) target(%arg9 : memref<2x4096xi32, #tpu.memory_space<vmem>>) target_semaphore(%arg15 : memref<!tpu.dma_semaphore, #tpu.memory_space<semaphore_mem>>)
      } else {
      }
      scf.yield %scan3A_411#0, %scan3A_411#1, %scan3A_411#2, %scan3A_411#3, %add3A_437 : vector<16xf32>, vector<16xf32>, vector<16xf32>, vector<16xf32>, vector<16xi32>
    }
    %scan3A_74 = arith.constant 32 : i32
    %add3A_75 = arith.addf %scan3A_73#0, %scan3A_73#1 : vector<16xf32>
    %add3A_76 = arith.addf %add3A_75, %scan3A_73#2 : vector<16xf32>
    %add3A_77 = arith.addf %add3A_76, %scan3A_73#3 : vector<16xf32>
    %swap3A = arith.constant 0 : index
    %swap3A_78 = tpu.vector_load %arg10[%swap3A] {strides = array<i32>} : memref<16xf32, #tpu.memory_space<vmem>>, vector<16xf32>,
    tpu.vector_store %arg10[%swap3A], %add3A_77 {strides = array<i32>} : memref<16xf32, #tpu.memory_space<vmem>>, vector<16xf32>,
    %convert_element_type3A = arith.sitofp %scan3A_73#4 : vector<16xi32> to vector<16xf32>
    %swap3A_79 = arith.constant 0 : index
    %swap3A_80 = tpu.vector_load %arg11[%swap3A_79] {strides = array<i32>} : memref<16xf32, #tpu.memory_space<vmem>>, vector<16xf32>,
    tpu.vector_store %arg11[%swap3A_79], %convert_element_type3A {strides = array<i32>} : memref<16xf32, #tpu.memory_space<vmem>>, vector<16xf32>,
    "tpu.region"() ({
      %run_scoped3A = tpu.sem_alloc : memref<!tpu.dma_semaphore, #tpu.memory_space<semaphore_mem>>
      %dma_start3A_81 = arith.constant 0 : i32
      %dma_start3A_82 = tpu.memref_slice %arg4[%add3A, %dma_start3A_81] : memref<32x16xf32, #tpu.memory_space<hbm>> -> memref<1x16xf32, #tpu.memory_space<hbm>>
      %dma_start3A_83 = tpu.memref_squeeze %dma_start3A_82 : memref<1x16xf32, #tpu.memory_space<hbm>> -> memref<16xf32, #tpu.memory_space<hbm>>
      %dma_start3A_84 = arith.constant 0 : i32
      %dma_start3A_85 = tpu.memref_slice %arg4[%add3A, %dma_start3A_84] : memref<32x16xf32, #tpu.memory_space<hbm>> -> memref<1x16xf32, #tpu.memory_space<hbm>>
      %dma_start3A_86 = tpu.memref_squeeze %dma_start3A_85 : memref<1x16xf32, #tpu.memory_space<hbm>> -> memref<16xf32, #tpu.memory_space<hbm>>
      tpu.enqueue_dma source(%arg10 : memref<16xf32, #tpu.memory_space<vmem>>) target(%dma_start3A_86 : memref<16xf32, #tpu.memory_space<hbm>>) target_semaphore(%run_scoped3A : memref<!tpu.dma_semaphore, #tpu.memory_space<semaphore_mem>>)
      %dma_wait3A = arith.constant 0 : i32
      %dma_wait3A_87 = tpu.memref_slice %arg4[%add3A, %dma_wait3A] : memref<32x16xf32, #tpu.memory_space<hbm>> -> memref<1x16xf32, #tpu.memory_space<hbm>>
      %dma_wait3A_88 = tpu.memref_squeeze %dma_wait3A_87 : memref<1x16xf32, #tpu.memory_space<hbm>> -> memref<16xf32, #tpu.memory_space<hbm>>
      %dma_wait3A_89 = arith.constant 0 : i32
      %dma_wait3A_90 = tpu.memref_slice %arg4[%add3A, %dma_wait3A_89] : memref<32x16xf32, #tpu.memory_space<hbm>> -> memref<1x16xf32, #tpu.memory_space<hbm>>
      %dma_wait3A_91 = tpu.memref_squeeze %dma_wait3A_90 : memref<1x16xf32, #tpu.memory_space<hbm>> -> memref<16xf32, #tpu.memory_space<hbm>>
      tpu.wait_dma2 semaphore(%run_scoped3A : memref<!tpu.dma_semaphore, #tpu.memory_space<semaphore_mem>>) src(%arg10 : memref<16xf32, #tpu.memory_space<vmem>>) dst(%dma_wait3A_91 : memref<16xf32, #tpu.memory_space<hbm>>)
      tpu.yield
    }) : () -> ()
    "tpu.region"() ({
      %run_scoped3A = tpu.sem_alloc : memref<!tpu.dma_semaphore, #tpu.memory_space<semaphore_mem>>
      %dma_start3A_81 = arith.constant 0 : i32
      %dma_start3A_82 = tpu.memref_slice %arg5[%add3A, %dma_start3A_81] : memref<32x16xf32, #tpu.memory_space<hbm>> -> memref<1x16xf32, #tpu.memory_space<hbm>>
      %dma_start3A_83 = tpu.memref_squeeze %dma_start3A_82 : memref<1x16xf32, #tpu.memory_space<hbm>> -> memref<16xf32, #tpu.memory_space<hbm>>
      %dma_start3A_84 = arith.constant 0 : i32
      %dma_start3A_85 = tpu.memref_slice %arg5[%add3A, %dma_start3A_84] : memref<32x16xf32, #tpu.memory_space<hbm>> -> memref<1x16xf32, #tpu.memory_space<hbm>>
      %dma_start3A_86 = tpu.memref_squeeze %dma_start3A_85 : memref<1x16xf32, #tpu.memory_space<hbm>> -> memref<16xf32, #tpu.memory_space<hbm>>
      tpu.enqueue_dma source(%arg11 : memref<16xf32, #tpu.memory_space<vmem>>) target(%dma_start3A_86 : memref<16xf32, #tpu.memory_space<hbm>>) target_semaphore(%run_scoped3A : memref<!tpu.dma_semaphore, #tpu.memory_space<semaphore_mem>>)
      %dma_wait3A = arith.constant 0 : i32
      %dma_wait3A_87 = tpu.memref_slice %arg5[%add3A, %dma_wait3A] : memref<32x16xf32, #tpu.memory_space<hbm>> -> memref<1x16xf32, #tpu.memory_space<hbm>>
      %dma_wait3A_88 = tpu.memref_squeeze %dma_wait3A_87 : memref<1x16xf32, #tpu.memory_space<hbm>> -> memref<16xf32, #tpu.memory_space<hbm>>
      %dma_wait3A_89 = arith.constant 0 : i32
      %dma_wait3A_90 = tpu.memref_slice %arg5[%add3A, %dma_wait3A_89] : memref<32x16xf32, #tpu.memory_space<hbm>> -> memref<1x16xf32, #tpu.memory_space<hbm>>
      %dma_wait3A_91 = tpu.memref_squeeze %dma_wait3A_90 : memref<1x16xf32, #tpu.memory_space<hbm>> -> memref<16xf32, #tpu.memory_space<hbm>>
      tpu.wait_dma2 semaphore(%run_scoped3A : memref<!tpu.dma_semaphore, #tpu.memory_space<semaphore_mem>>) src(%arg11 : memref<16xf32, #tpu.memory_space<vmem>>) dst(%dma_wait3A_91 : memref<16xf32, #tpu.memory_space<hbm>>)
      tpu.yield
    }) : () -> ()
    return
  }
}

</mosaic_0001>

<sc_bundles>
// kernel: kernel.3.cloned.1.call-start
scs
__scs_entry_jumppad:
0x0: {  	(pc) =	sbr.rel $0x88, $3  }
0x1: {  	(tag) =	ssettag $0x0;
	lr =	simm.s32 $0x1  }
0x2: {  	[smem:$0x3F9F] =	sst lr;
	_ =	strace $0xD0000000  }
0x3: {  	_ = 	snop  }
0x4: {  	_ = 	snop  }
0x5: {  	_ = 	snop  }
0x6: {  	_ = 	snop  }
0x7: {  	_ = 	snop  }
__scs_overlays_trampoline_lowered:
0x8: {  	[smem:$0x3FAE] =	sst s0  }
0x9: {  	[smem:$0x3FAF] =	sst s1  }
0xa: {  	[smem:$0x3FB0] =	sst s2  }
0xb: {  	[smem:$0x3FB1] =	sst s3  }
0xc: {  	[smem:$0x3FB2] =	sst s4  }
0xd: {  	[smem:$0x3FB3] =	sst s5  }
0xe: {  	[smem:$0x3FB4] =	sst s6  }
0xf: {  	[smem:$0x3FB5] =	sst s7  }
0x10: {  	[smem:$0x3FB6] =	sst s8  }
0x11: {  	[smem:$0x3FB7] =	sst s9;
	s0 =	simm.s32 @!p0 $0x0  }
0x12: {  	s1 =	sld [smem:$0x3F9D];
	s0 =	simm.s32 @p0 $0x1  }
0x13: {  	[smem:$0x3FB8] =	sst s0;
	s0 =	simm.s32 @!p1 $0x0  }
0x14: {  	s2 =	sld [smem:$0x3F9C];
	s0 =	simm.s32 @p1 $0x1  }
0x15: {  	[smem:$0x3FB9] =	sst s0;
	s0 =	simm.s32 @!p2 $0x0  }
0x16: {  	s3 =	sld [smem:$0x3FDB];
	s0 =	simm.s32 @p2 $0x1  }
0x17: {  	s4 =	simm.s32 $0x1BF5;
	[smem:$0x3FBB] =	sst s0  }
0x18: {  	s0 =	sld [smem:$0x3F9E];
	_ =	swait.ge [sflag:s4], $0x0  }
0x19: {  	s7 =	sld [smem:$0x3F9F]  }
0x1a: {  	s8 =	sadd.s32 $0xFFFFE003, lr  }
0x1b: {  	s9 =	sadd.s32 $0xFFFFFEF7, lr;
	s5 =	simm.s32 $0xFFFFFFFF;
	p2 =	slt.u32 s8, $0xFFFFF086  }
0x1c: {  	p1 =	slt.u32 s9, $0xF7A;
	s5 =	simm.s32 @!p2 $0x0  }
0x1d: {  	s5 =	simm.s32 @p1 $0x1;
	p0 =	seq.s32 s7, s2  }
0x1e: {  	s7 =	smul.u32 @!p0 $0xF7A, s2;
	p2 =	seq.s32 @!p0 s5, $0x0  }
0x1f: {  	s9 =	smul.u32 $0xF7A, s1;
	s8 =	simm.s32 @!p0 $0x1BF5;
	p2 =	por !p2, p0  }
0x20: {  	[sflag:s8] =	ssyncset.s32 @!p0 $0xFFFFF086;
	s6 =	sadd.s32 @!p0 s3, s7;
	s7 =	simm.s32 @!p0 $0x108  }
0x21: {  	s3 =	sadd.s32 s3, s9;
	s6 =	sadd.s32 @!p0 $0x88, s6;
	s7 =	simm.s32 @p2 $0x1082  }
0x22: {  	[simem:s7], [sflag:s8] =	dma.local @!p0 [hbm:s6], $0xF7A  }
0x23: {  	s9 =	sor.u32 $0xD0000000, s2;
	s6 =	simm.s32 $0x108;
	_ =	swait.ge @!p0 [sflag:s8], $0x0  }
0x24: {  	s3 =	sadd.s32 $0x88, s3;
	s6 =	simm.s32 @!p1 $0x1082;
	[sflag:s4] =	ssyncset.s32 $0xFFFFF086  }
0x25: {  	[simem:s6], [sflag:s4] =	dma.local [hbm:s3], $0xF7A  }
0x26: {  	[smem:$0x3F9F] =	sst s1;
	(tag) =	ssettag s2;
	_ =	strace s9  }
0x27: {  	s1 =	sld [smem:$0x3FAF]  }
0x28: {  	s2 =	sld [smem:$0x3FB0]  }
0x29: {  	s4 =	sld [smem:$0x3FB2]  }
0x2a: {  	p0 =	seq.s32 s5, $0x0;
	s5 =	sld [smem:$0x3FB3]  }
0x2b: {  	s6 =	sld [smem:$0x3FB4]  }
0x2c: {  	s7 =	sld [smem:$0x3FB5]  }
0x2d: {  	s3 =	simm.s32 $0x108;
	s8 =	sld [smem:$0x3FB6]  }
0x2e: {  	s3 =	simm.s32 @!p0 $0x1082;
	s9 =	sld [smem:$0x3FB7]  }
0x2f: {  	lr =	sadd.s32 s0, s3;
	s0 =	sld [smem:$0x3FAE]  }
0x30: {  	s3 =	sld [smem:$0x3FB1]  }
0x31: {  	[smem:$0x3FBA] =	sst s10  }
0x32: {  	s10 =	sld [smem:$0x3FB8];
	_ =	sdelay $0x3  }
0x33: {  	p0 =	seq.s32 s10, $0x1;
	s10 =	sld [smem:$0x3FBA];
	_ =	sdelay $0x3  }
0x34: {  	[smem:$0x3FBA] =	sst s10  }
0x35: {  	s10 =	sld [smem:$0x3FB9];
	_ =	sdelay $0x3  }
0x36: {  	p1 =	seq.s32 s10, $0x1;
	s10 =	sld [smem:$0x3FBA];
	_ =	sdelay $0x3  }
0x37: {  	[smem:$0x3FBA] =	sst s10  }
0x38: {  	s10 =	sld [smem:$0x3FBB]  }
0x39: {  	_ = 	snop;
	(pc) =	sbr.ind lr, $3  }
0x3a: {  	_ = 	snop  }
0x3b: {  	_ = 	snop  }
0x3c: {  	p2 =	seq.s32 s10, $0x1;
	s10 =	sld [smem:$0x3FBA]  }
0x3d: {  	_ =	shalt  }
0x3e: {  	_ =	shalt  }
0x3f: {  	_ =	shalt  }
0x40: {  	_ =	shalt  }
0x41: {  	_ =	shalt  }
0x42: {  	_ =	shalt  }
0x43: {  	_ =	shalt  }
0x44: {  	_ =	shalt  }
0x45: {  	_ =	shalt  }
0x46: {  	_ =	shalt  }
0x47: {  	_ =	shalt  }
0x48: {  	_ =	shalt  }
0x49: {  	_ =	shalt  }
0x4a: {  	_ =	shalt  }
0x4b: {  	_ =	shalt  }
0x4c: {  	_ =	shalt  }
0x4d: {  	_ =	shalt  }
0x4e: {  	_ =	shalt  }
0x4f: {  	_ =	shalt  }
0x50: {  	_ =	shalt  }
0x51: {  	_ =	shalt  }
0x52: {  	_ =	shalt  }
0x53: {  	_ =	shalt  }
0x54: {  	_ =	shalt  }
0x55: {  	_ =	shalt  }
0x56: {  	_ =	shalt  }
0x57: {  	_ =	shalt  }
0x58: {  	_ =	shalt  }
0x59: {  	_ =	shalt  }
0x5a: {  	_ =	shalt  }
0x5b: {  	_ =	shalt  }
0x5c: {  	_ =	shalt  }
0x5d: {  	_ =	shalt  }
0x5e: {  	_ =	shalt  }
0x5f: {  	_ =	shalt  }
0x60: {  	_ =	shalt  }
0x61: {  	_ =	shalt  }
0x62: {  	_ =	shalt  }
0x63: {  	_ =	shalt  }
0x64: {  	_ =	shalt  }
0x65: {  	_ =	shalt  }
0x66: {  	_ =	shalt  }
0x67: {  	_ =	shalt  }
0x68: {  	_ =	shalt  }
0x69: {  	_ =	shalt  }
0x6a: {  	_ =	shalt  }
0x6b: {  	_ =	shalt  }
0x6c: {  	_ =	shalt  }
0x6d: {  	_ =	shalt  }
0x6e: {  	_ =	shalt  }
0x6f: {  	_ =	shalt  }
0x70: {  	_ =	shalt  }
0x71: {  	_ =	shalt  }
0x72: {  	_ =	shalt  }
0x73: {  	_ =	shalt  }
0x74: {  	_ =	shalt  }
0x75: {  	_ =	shalt  }
0x76: {  	_ =	shalt  }
0x77: {  	_ =	shalt  }
0x78: {  	_ =	shalt  }
0x79: {  	_ =	shalt  }
0x7a: {  	_ =	shalt  }
0x7b: {  	_ =	shalt  }
0x7c: {  	_ =	shalt  }
0x7d: {  	_ =	shalt  }
0x7e: {  	_ =	shalt  }
0x7f: {  	_ =	shalt  }
0x80: {  	_ =	shalt  }
0x81: {  	_ =	shalt  }
0x82: {  	_ =	shalt  }
0x83: {  	_ =	shalt  }
0x84: {  	_ =	shalt  }
0x85: {  	_ =	shalt  }
0x86: {  	_ =	shalt  }
0x87: {  	_ =	shalt  }
.Lfunc_end0:
.L_simem_size_0:
called_computation_lowered:
.L_overlay_start_0:
0x88: {  	s2 =	sld [smem:$0x3FD9]  }
0x89: {  	s3 =	sld [smem:$0x3FFE];
	_ =	sdelay $0x1  }
0x8a: {  	s1 =	srdreg.scid  }
0x8b: {  	s0 =	sand.u32 $0x1, s1  }
0x8c: {  	s17 =	sshll.u32 s0, $0xA;
	s2 =	sadd.s32 s3, s2  }
0x8d: {  	s2 =	sadd.s32 s2, s17  }
0x8e: {  	[smem:$0x3FC6] =	sst s2  }
0x8f: {  	_ = 	snop  }
0x90: {  	s2 =	sld [smem:$0x3FC9];
	(tm) =	ssettm $0x1  }
0x91: {  	s18 =	sld [smem:$0x3FFB];
	_ =	sdelay $0x3  }
0x92: {  	_ =	strace s18  }
0x93: {  	s3 =	sld [smem:$0x3FFC];
	_ =	sdelay $0x3  }
0x94: {  	_ =	strace s3  }
0x95: {  	s3 =	sld [smem:$0x3FFD];
	_ =	sdelay $0x3  }
0x96: {  	_ =	strace s3  }
0x97: {  	_ =	strace $0x8FFFFFFF  }
0x98: {  	s19 =	sld [smem:$0x3FDB];
	_ =	sdelay $0x1  }
0x99: {  	s4 =	simm.s32 $_scs_section_size  }
0x9a: {  	s5 =	simm.s32 $_size__tile_overlayer_lowered;
	s6 =	simm.s32 $_tile_overlayer_lowered  }
0x9b: {  	s22 =	simm.s32 $0x1BFF;
	s21 =	sshll.u32 s6, $0x1;
	s3 =	sadd.s32 s4, s19  }
0x9c: {  	s7 =	simm.s32 $0x0;
	s20 =	sshll.u32 s5, $0x1;
	s5 =	sadd.s32 s21, s3  }
0x9d: {  	[timem:s7], [sflag:s22] =	dma.local [hbm:s5], s20  }
0x9e: {  	_ =	swait.ge [sflag:s22], s20  }
0x9f: {  	s4 =	ssub.s32 $0x0, s20;
	[sflag:s22] =	ssyncset.done $0x0  }
0xa0: {  	[sflag:s22] =	ssyncadd.s32 s4;
	_ =	sdelay $0x1  }
0xa1: {  	s23 =	simm.s32 $0x1B8B  }
0xa2: {  	_ =	swait.ge [sflag:s23], $0x1  }
0xa3: {  	[sflag:s23] =	ssyncset.done $0x0  }
0xa4: {  	s25 =	simm.s32 $0x1B8E;
	s24 =	sld [smem:$0x3FFE];
	[sflag:s23] =	ssyncadd.s32 $0xFFFFFFFF  }
0xa5: {  	s26 =	simm.s32 $execute0_lowered;
	[smem:$0x3FD2] =	sst s25  }
0xa6: {  	s5 =	sshll.u32 s26, $0x1;
	_ =	strace $0x80000046;
	[dreg:$0x1] =	wrdreg $0xFFFFFFFF  }
0xa7: {  	s28 =	simm.s32 $_size_execute0_lowered;
	s3 =	sadd.s32 s3, s5;
	[dreg:$0x0] =	wrdreg $0x0  }
0xa8: {  	s5 =	sshll.u32 s28, $0x1;
	[dreg:$0x2] =	wrdreg s3  }
0xa9: {  	[dreg:$0x3] =	wrdreg s5  }
0xaa: {  	[dreg:$0x4] =	wrdreg $0xC0  }
0xab: {  	_ =	task [dreg:s7], $0x5FFFF  }
0xac: {  	[dreg:$0x1] =	wrdreg $0xFFFFFFFF  }
0xad: {  	[dreg:$0x0] =	wrdreg $0x60  }
0xae: {  	[dreg:$0x2] =	wrdreg s2  }
0xaf: {  	[dreg:$0x3] =	wrdreg s24  }
0xb0: {  	[dreg:$0x4] =	wrdreg $0x9  }
0xb1: {  	_ =	task.clear_ibuf [dreg:s7], $0x5FFFF;
	_ =	strace $0x90000046  }
0xb2: {  	s29 =	simm.s32 $0x9;
	_ =	strace $0x80000048  }
0xb3: {  	_ =	swait.ge [sflag:s29], $0x1  }
0xb4: {  	[sflag:s29] =	ssyncadd.s32 $0xFFFFFFFF  }
0xb5: {  	_ =	strace $0x90000048  }
0xb6: {  	_ =	sfence  }
0xb7: {  	s30 =	sld [smem:$0x0];
	_ =	sdelay $0x2  }
0xb8: {  	s31 =	sshll.u32 s1, $0xD;
	s1 =	sshrl.u32 s1, $0x2  }
0xb9: {  	s3 =	sand.u32 $0x4000, s31;
	s1 =	sadd.s32 s1, s30  }
0xba: {  	s0 =	sor.u32 s3, s0;
	s1 =	sshll.u32 s1, $0x11  }
0xbb: {  	s0 =	sor.u32 s1, s0  }
0xbc: {  	s0 =	sadd.s32 $0x8F2B, s0  }
0xbd: {  	[sflag:s0] =	ssyncadd.remote.s32 $0x1  }
0xbe: {  	_ =	sfence.sel $0xFFFF  }
0xbf: {  	[dreg:$0x0] =	wrdreg $0xFFFFFFFF;
	(pc) =	sbr.abs _section_cstart, $3  }
0xc0: {  	[dreg:$0x1] =	wrdreg $0xFFFFFFFF  }
0xc1: {  	_ =	task.clear_ibuf [dreg:s7], $0x2FFFF;
	_ =	strace $0x9FFFFFFF  }
0xc2: {  	(tm) =	ssettm $0x7FFFFFFF  }
0xc3: {  	_ =	shalt  }
tec
execute0_lowered:
.L_overlay_start_1:
0x0: {  	(tag) =	ssettag $0x1  }
0x1: {  	s2 =	rddreg [dreg:$0x0];
	s0 =	srdreg.scid  }
0x2: {  	s1 =	stileid.u32;
	s3 =	rddreg [dreg:$0x1]  }
0x3: {  	s4 =	simm.s32 $0x0;
	s15 =	simm.s32 $0x8000;
	s16 =	simm.s32 $0x12000  }
0x4: {  	s17 =	simm.s32 $0x1;
	s18 =	simm.s32 $0x3;
	s19 =	simm.s32 $0x2  }
0x5: {  	s20 =	simm.s32 $0x4;
	s22 =	simm.s32 $0x5;
	s24 =	simm.s32 $0x0  }
0x6: {  	s0 =	sand.u32 $0x1, s0;
	s1 =	sshll.u32 s1, $0x1;
	[smem:$0x7FF] =	sst s4  }
0x7: {  	s1 =	sor.u32 s0, s1;
	s0 =	ssub.s32 $0x2, s0;
	_ =	strace $0x80000047  }
0x8: {  	s5 =	sshll.u32 s1, $0x4;
	s29 =	sshrl.u32 s0, $0x1;
	s10 =	sshll.u32 s1, $0x9  }
0x9: {  	s30 =	sshll.u32 s1, $0x12;
	s1 =	sshll.u32 s1, $0x10;
	s12 =	sadd.s32 s5, s3  }
.Ltmp0:
0xa: {  	s0 =	ssub.s32 s0, s29;
	s5 =	sadd.s32 s2, s30;
	(pc) =	sbr.rel .LBB2_1-.Ltmp0, $4  }
0xb: {  	s7 =	sor.u32 $0x8, s10;
	s6 =	sadd.s32 s3, s1;
	s9 =	sor.u32 $0x10, s10  }
0xc: {  	s10 =	sor.u32 $0x18, s10;
	[dreg:$0x3] =	wrdreg s5;
	s31 =	sshll.u32 s7, $0x9  }
0xd: {  	s8 =	sshll.u32 s7, $0x7;
	s11 =	sadd.s32 $0x200200, s12;
	s12 =	sadd.s32 $0x200000, s12  }
0xe: {  	s13 =	smax.u32 s0, $0x1;
	s7 =	sadd.s32 s2, s31;
	s8 =	sadd.s32 s3, s8  }
.LBB2_20:
0xf: {  	v1 =	vadd.f32 v5, v1;
	_ =	sdelay $0x1  }
0x10: {  	v1 =	vadd.f32 v4, v1  }
0x11: {  	v0 =	vcvt.s32.f32 v0  }
0x12: {  	v1 =	vadd.f32 v2, v1  }
0x13: {  	[tilespmem:$0x14080] =	vst v0  }
0x14: {  	s0 =	simm.s32 $0x14000;
	[tilespmem:$0x14000] =	vst v1  }
0x15: {  	[hbm4b:s11+s4] =	stream.linear.scatter [tilespmem:s0], [sflag:$0x5], $0x80, $0x38;
	[tilespmem:$0x14100] =	vst v63  }
0x16: {  	s24 =	sadd.s32 $0x1, s24;
	_ =	swait.ge [sflag:s22], $0x80  }
0x17: {  	p0 =	sne.s32 s24, s13;
	[sflag:s22] =	ssyncset.done $0x0  }
.Ltmp1:
0x18: {  	s31 =	simm.s32 $0x14080;
	[sflag:s22] =	ssyncadd.s32 $0xFFFFFF80;
	(pc) =	sbr.rel @!p0 .LBB2_21-.Ltmp1, $4  }
0x19: {  	[hbm4b:s12+s4] =	stream.linear.scatter [tilespmem:s31], [sflag:$0x5], $0x80, $0x38;
	[tilespmem:$0x14100] =	vst v63  }
0x1a: {  	_ =	swait.ge [sflag:s22], $0x80  }
0x1b: {  	[sflag:s22] =	ssyncset.done $0x0  }
0x1c: {  	[sflag:s22] =	ssyncadd.s32 $0xFFFFFF80  }
.LBB2_1:
0x1d: {  	s0 =	rddreg [dreg:$0x3]  }
0x1e: {  	[tilespmem:s4], [sflag:$0x1] =	stream.linear.gather [hbm4b:s0+s4], $0x8000, $0x38;
	[tilespmem:$0x14100] =	vst v63  }
0x1f: {  	s31 =	simm.s32 $0x10000  }
0x20: {  	[tilespmem:s31], [sflag:$0x3] =	stream.linear.gather [hbm4b:s6+s4], $0x2000, $0x38;
	[tilespmem:$0x14100] =	vst v63  }
0x21: {  	_ = 	snop  }
0x22: {  	[tilespmem:s15], [sflag:$0x2] =	stream.linear.gather [hbm4b:s7+s4], $0x8000, $0x38;
	[tilespmem:$0x14100] =	vst v63  }
0x23: {  	v2 =	vimm.f32 $0.0e+00;
	v0 =	vimm.s32 $0x0;
	s25 =	simm.s32 $0x0  }
0x24: {  	v4 =	vimm.f32 $0.0e+00;
	v5 =	vimm.f32 $0.0e+00;
	v1 =	vimm.f32 $0.0e+00;
	[tilespmem:s16], [sflag:$0x4] =	stream.linear.gather [hbm4b:s8+s4], $0x2000, $0x38;
	[tilespmem:$0x14100] =	vst v63  }
.LBB2_2:
0x25: {  	_ =	swait.ge [sflag:s17], $0x8000  }
0x26: {  	[sflag:s17] =	ssyncset.done $0x0  }
0x27: {  	s1 =	simm.s32 $0x0;
	[sflag:s17] =	ssyncadd.s32 $0xFFFF8000  }
0x28: {  	s28 =	sand.u32 $0x7FFFFC00, s1;
	s26 =	sand.u32 $0x70, s1;
	_ =	swait.ge [sflag:s18], $0x2000  }
0x29: {  	s0 =	sshrl.u32 s28, $0x2;
	s14 =	sadd.s32 $0x2000, s28;
	[sflag:s18] =	ssyncset.done $0x0  }
0x2a: {  	s0 =	sor.u32 s26, s0;
	s29 =	sshrl.u32 s14, $0x2;
	[sflag:s18] =	ssyncadd.s32 $0xFFFFE000  }
0x2b: {  	s31 =	sor.u32 s26, s29;
	v10 =	vld [tilespmem:s0+$0x10000]  }
0x2c: {  	s29 =	sor.u32 s26, s14;
	v9 =	vld [tilespmem:s31+$0x10000]  }
0x2d: {  	v7 =	vld [tilespmem:s29+$0x0]  }
0x2e: {  	v6 =	vimm.s32 $0x0;
	s14 =	sor.u32 s26, s28;
	v8 =	vld [tilespmem:s29+$0x80];
	s0 =	simm.s32 $0x80  }
.LBB2_3:
0x2f: {  	p0 =	sne.s32 s0, $0x1F80;
	v3 =	vld [tilespmem:s14+$0x0]  }
0x30: {  	v11 =	vand.u32 $0x1, v10;
	v12 =	vand.u32 $0x100, v10;
	v13 =	vld [tilespmem:s14+$0x80];
	v14 =	vand.u32 $0x1010101, v10  }
0x31: {  	v15 =	vand.u32 $0x10000, v10;
	v10 =	vand.u32 $0x1000000, v10;
	v16 =	vld [tilespmem:s14+$0x100];
	v17 =	vand.u32 $0x1010101, v9  }
0x32: {  	v19 =	vand.u32 $0x1, v9;
	v20 =	vand.u32 $0x100, v9;
	v21 =	vand.u32 $0x10000, v9;
	v18 =	vld [tilespmem:s14+$0x180]  }
0x33: {  	vm0 =	veq.s32 v11, $0x0;
	vm1 =	veq.s32 v12, $0x0;
	v9 =	vand.u32 $0x1000000, v9;
	v11 =	vld [tilespmem:s29+$0x100]  }
0x34: {  	vm2 =	veq.s32 v15, $0x0;
	vm3 =	veq.s32 v10, $0x0;
	vm4 =	veq.s32 v19, $0x0;
	v12 =	vld [tilespmem:s29+$0x180]  }
0x35: {  	s1 =	sadd.s32 $0x10, s1;
	s14 =	sand.u32 $0x7FFFFC00, s0;
	vm5 =	veq.s32 v20, $0x0;
	vm6 =	veq.s32 v21, $0x0;
	vm7 =	veq.s32 v9, $0x0  }
0x36: {  	s30 =	sand.u32 $0x70, s1;
	s31 =	sadd.s32 $0x2000, s14;
	s29 =	sshrl.u32 s14, $0x2;
	v3 =	vsel vm0, $0x0, v3;
	v9 =	vsel vm1, $0x0, v13;
	v13 =	vsel vm2, $0x0, v16  }
.Ltmp2:
0x37: {  	v8 =	vsel vm5, $0x0, v8;
	s21 =	sshrl.u32 s31, $0x2;
	s29 =	sor.u32 s30, s29;
	v16 =	vsel vm4, $0x0, v7;
	v15 =	vsel vm3, $0x0, v18;
	(pc) =	sbr.rel @p0 .LBB2_3-.Ltmp2, $4  }
0x38: {  	s21 =	sor.u32 s30, s21;
	v1 =	vadd.f32 v3, v1;
	v3 =	vadd.f32 v9, v5;
	v10 =	vld [tilespmem:s29+$0x10000];
	v11 =	vsel vm6, $0x0, v11  }
0x39: {  	v4 =	vadd.f32 v13, v4;
	s29 =	sor.u32 s30, s31;
	v2 =	vadd.f32 v15, v2;
	v9 =	vld [tilespmem:s21+$0x10000];
	v12 =	vsel vm7, $0x0, v12  }
0x3a: {  	v6 =	vadd.s32 v6, v14;
	v1 =	vadd.f32 v16, v1;
	v5 =	vadd.f32 v8, v3;
	v7 =	vld [tilespmem:s29+$0x0]  }
0x3b: {  	s0 =	sadd.s32 $0x80, s0;
	v6 =	vadd.s32 v17, v6;
	s14 =	sor.u32 s30, s14;
	v4 =	vadd.f32 v11, v4;
	v2 =	vadd.f32 v12, v2;
	v8 =	vld [tilespmem:s29+$0x80]  }
0x3c: {  	_ = 	snop  }
0x3d: {  	v11 =	vld [tilespmem:s14+$0x0];
	v3 =	vimm.s32 $0x0;
	v12 =	vand.u32 $0x1, v10  }
0x3e: {  	v13 =	vld [tilespmem:s14+$0x80];
	v14 =	vand.u32 $0x100, v10;
	v15 =	vand.u32 $0x1010101, v10;
	v16 =	vand.u32 $0x10000, v10  }
0x3f: {  	v17 =	vld [tilespmem:s14+$0x100];
	v10 =	vand.u32 $0x1000000, v10;
	v18 =	vand.u32 $0x1010101, v9;
	v20 =	vand.u32 $0x1, v9  }
0x40: {  	v19 =	vld [tilespmem:s14+$0x180];
	v21 =	vand.u32 $0x100, v9;
	v22 =	vand.u32 $0x10000, v9;
	vm0 =	veq.s32 v12, $0x0  }
0x41: {  	s0 =	sadd.s32 $0x4000, s28;
	vm1 =	veq.s32 v14, $0x0;
	v12 =	vld [tilespmem:s29+$0x100];
	v9 =	vand.u32 $0x1000000, v9;
	vm2 =	veq.s32 v16, $0x0  }
0x42: {  	s23 =	sshrl.u32 s0, $0x2;
	vm3 =	veq.s32 v10, $0x0;
	v10 =	vld [tilespmem:s29+$0x180];
	vm4 =	veq.s32 v20, $0x0;
	vm5 =	veq.s32 v21, $0x0  }
0x43: {  	s14 =	sor.u32 s26, s23;
	vm6 =	veq.s32 v22, $0x0;
	vm7 =	veq.s32 v9, $0x0;
	v7 =	vsel vm4, $0x0, v7  }
0x44: {  	v16 =	vld [tilespmem:s14+$0x10000];
	v9 =	vsel vm0, $0x0, v11;
	v11 =	vsel vm1, $0x0, v13;
	v13 =	vsel vm2, $0x0, v17  }
0x45: {  	s1 =	sadd.s32 $0x6000, s28;
	s0 =	sor.u32 s26, s0;
	v14 =	vsel vm3, $0x0, v19;
	v1 =	vadd.f32 v9, v1;
	v5 =	vadd.f32 v11, v5  }
0x46: {  	s21 =	sshrl.u32 s1, $0x2;
	v23 =	vld [tilespmem:s0+$0x180];
	v8 =	vsel vm5, $0x0, v8;
	v4 =	vadd.f32 v13, v4;
	v2 =	vadd.f32 v14, v2  }
0x47: {  	s21 =	sor.u32 s26, s21;
	v17 =	vld [tilespmem:s0+$0x80];
	v11 =	vsel vm6, $0x0, v12;
	v10 =	vsel vm7, $0x0, v10;
	v12 =	vadd.f32 v7, v1  }
0x48: {  	v9 =	vld [tilespmem:s21+$0x10000];
	v1 =	vadd.s32 v6, v15;
	v5 =	vadd.f32 v8, v5;
	v8 =	vadd.f32 v11, v4  }
0x49: {  	s1 =	sor.u32 s26, s1;
	v14 =	vld [tilespmem:s0+$0x0];
	v15 =	vadd.f32 v10, v2;
	v4 =	vand.u32 $0x1010101, v16;
	v19 =	vand.u32 $0x1, v16  }
0x4a: {  	v7 =	vld [tilespmem:s1+$0x0];
	v61 =	vand.u32 $0x100, v16;
	v62 =	vand.u32 $0x10000, v16;
	v16 =	vand.u32 $0x1000000, v16  }
0x4b: {  	s26 =	simm.s32 $0x80;
	v6 =	vld [tilespmem:s1+$0x80];
	v1 =	vadd.s32 v18, v1;
	vm10 =	veq.s32 v19, $0x0;
	vm15 =	veq.s32 v16, $0x0  }
0x4c: {  	s14 =	sand.u32 $0x7FFFFC00, s26;
	v13 =	vld [tilespmem:s1+$0x100];
	vm13 =	veq.s32 v61, $0x0;
	vm14 =	veq.s32 v62, $0x0;
	v16 =	vsel vm15, $0x0, v23  }
0x4d: {  	v63 =	vld [tilespmem:s0+$0x100];
	s26 =	simm.s32 $0x10;
	s30 =	sadd.s32 $0x6000, s14;
	v10 =	vand.u32 $0x1, v9;
	v2 =	vand.u32 $0x1010101, v9;
	v18 =	vand.u32 $0x10000, v9  }
0x4e: {  	s28 =	sand.u32 $0x70, s26;
	s29 =	sadd.s32 $0x4000, s14;
	s31 =	sshrl.u32 s30, $0x2;
	v11 =	vand.u32 $0x100, v9;
	v9 =	vand.u32 $0x1000000, v9;
	vm11 =	veq.s32 v18, $0x0;
	v18 =	vld [tilespmem:s1+$0x180]  }
0x4f: {  	s14 =	sshrl.u32 s29, $0x2;
	vm0 =	veq.s32 v10, $0x0;
	vm9 =	veq.s32 v11, $0x0;
	vm12 =	veq.s32 v9, $0x0;
	s1 =	sor.u32 s28, s31  }
0x50: {  	s14 =	sor.u32 s28, s14;
	v10 =	vsel vm0, $0x0, v7;
	v11 =	vsel vm9, $0x0, v6;
	v6 =	vsel vm10, $0x0, v14;
	v7 =	vld [tilespmem:s1+$0x10000]  }
0x51: {  	v9 =	vsel vm11, $0x0, v13;
	v13 =	vsel vm13, $0x0, v17;
	v12 =	vadd.f32 v6, v12;
	v6 =	vld [tilespmem:s14+$0x10000]  }
0x52: {  	v15 =	vadd.f32 v16, v15;
	v14 =	vsel vm14, $0x0, v63;
	s1 =	sor.u32 s28, s30;
	v13 =	vadd.f32 v13, v5  }
0x53: {  	s0 =	simm.s32 $0x100;
	v14 =	vadd.f32 v14, v8;
	v5 =	vld [tilespmem:s1+$0x0];
	v8 =	vimm.s32 $0x0;
	v16 =	vsel vm12, $0x0, v18  }
.LBB2_5:
0x54: {  	p0 =	sne.s32 s0, $0x1F80;
	v17 =	vld [tilespmem:s1+$0x80];
	v4 =	vadd.s32 v8, v4;
	v12 =	vadd.f32 v10, v12;
	v13 =	vadd.f32 v11, v13  }
0x55: {  	s14 =	sor.u32 s28, s29;
	v18 =	vld [tilespmem:s1+$0x100];
	v14 =	vadd.f32 v9, v14;
	v15 =	vadd.f32 v16, v15;
	v8 =	vadd.s32 v2, v4  }
0x56: {  	v9 =	vand.u32 $0x1, v7;
	v2 =	vand.u32 $0x1010101, v7;
	v16 =	vld [tilespmem:s14+$0x0];
	v4 =	vand.u32 $0x1010101, v6  }
0x57: {  	v10 =	vand.u32 $0x100, v7;
	v11 =	vand.u32 $0x10000, v7;
	v7 =	vand.u32 $0x1000000, v7;
	v19 =	vld [tilespmem:s14+$0x80]  }
0x58: {  	s21 =	sand.u32 $0x7FFFFC00, s0;
	v20 =	vand.u32 $0x1, v6;
	v21 =	vand.u32 $0x100, v6;
	v22 =	vand.u32 $0x10000, v6;
	v23 =	vld [tilespmem:s14+$0x100]  }
0x59: {  	s26 =	sadd.s32 $0x10, s26;
	s30 =	sadd.s32 $0x6000, s21;
	v6 =	vand.u32 $0x1000000, v6;
	vm0 =	veq.s32 v9, $0x0;
	vm1 =	veq.s32 v10, $0x0;
	v24 =	vld [tilespmem:s14+$0x180]  }
0x5a: {  	s28 =	sand.u32 $0x70, s26;
	s29 =	sadd.s32 $0x4000, s21;
	vm3 =	veq.s32 v11, $0x0;
	vm4 =	veq.s32 v7, $0x0;
	vm2 =	veq.s32 v20, $0x0;
	s14 =	sshrl.u32 s30, $0x2;
	v20 =	vld [tilespmem:s1+$0x180]  }
.Ltmp3:
0x5b: {  	vm5 =	veq.s32 v21, $0x0;
	vm6 =	veq.s32 v22, $0x0;
	vm7 =	veq.s32 v6, $0x0;
	s1 =	sshrl.u32 s29, $0x2;
	s14 =	sor.u32 s28, s14;
	(pc) =	sbr.rel @p0 .LBB2_5-.Ltmp3, $4  }
0x5c: {  	v10 =	vsel vm0, $0x0, v5;
	v11 =	vsel vm1, $0x0, v17;
	v9 =	vsel vm3, $0x0, v18;
	s1 =	sor.u32 s28, s1;
	v7 =	vld [tilespmem:s14+$0x10000]  }
0x5d: {  	v5 =	vsel vm2, $0x0, v16;
	v16 =	vsel vm5, $0x0, v19;
	v6 =	vld [tilespmem:s1+$0x10000];
	v17 =	vsel vm6, $0x0, v23  }
0x5e: {  	v12 =	vadd.f32 v5, v12;
	s1 =	sor.u32 s28, s30;
	v13 =	vadd.f32 v16, v13;
	v16 =	vsel vm7, $0x0, v24  }
0x5f: {  	s0 =	sadd.s32 $0x80, s0;
	v14 =	vadd.f32 v17, v14;
	v5 =	vld [tilespmem:s1+$0x0];
	v15 =	vadd.f32 v16, v15;
	v16 =	vsel vm4, $0x0, v20  }
0x60: {  	v17 =	vld [tilespmem:s1+$0x80];
	v4 =	vadd.s32 v8, v4;
	v8 =	vadd.f32 v10, v12;
	v10 =	vadd.f32 v11, v13  }
0x61: {  	s0 =	sor.u32 s28, s29;
	v11 =	vld [tilespmem:s1+$0x100];
	v9 =	vadd.f32 v9, v14;
	v12 =	vadd.f32 v16, v15;
	v2 =	vadd.s32 v2, v4  }
0x62: {  	v4 =	vld [tilespmem:s0+$0x0];
	v14 =	vand.u32 $0x1, v7;
	v15 =	vand.u32 $0x1010101, v7;
	v18 =	vand.u32 $0x100, v7  }
0x63: {  	v49 =	vld [tilespmem:s0+$0x80];
	v19 =	vand.u32 $0x10000, v7;
	v7 =	vand.u32 $0x1000000, v7;
	v13 =	vand.u32 $0x1010101, v6  }
0x64: {  	s31 =	simm.s32 $0x0;
	v23 =	vld [tilespmem:s0+$0x100];
	v20 =	vand.u32 $0x1, v6;
	v21 =	vand.u32 $0x100, v6;
	v22 =	vand.u32 $0x10000, v6  }
0x65: {  	v24 =	vld [tilespmem:s0+$0x180];
	s29 =	sand.u32 $0x7FFFFC00, s31;
	v6 =	vand.u32 $0x1000000, v6;
	vm0 =	veq.s32 v14, $0x0;
	vm1 =	veq.s32 v18, $0x0  }
0x66: {  	s26 =	sand.u32 $0x70, s31;
	vm3 =	veq.s32 v19, $0x0;
	vm4 =	veq.s32 v7, $0x0;
	v7 =	vld [tilespmem:s1+$0x180];
	s1 =	sshrl.u32 s29, $0x2;
	vm2 =	veq.s32 v20, $0x0  }
0x67: {  	vm5 =	veq.s32 v21, $0x0;
	vm6 =	veq.s32 v22, $0x0;
	s0 =	sor.u32 s26, s1;
	v2 =	vadd.s32 v2, v13  }
0x68: {  	vm7 =	veq.s32 v6, $0x0;
	v5 =	vsel vm0, $0x0, v5;
	v51 =	vld [tilespmem:s0+$0x10080];
	v2 =	vadd.s32 v15, v2  }
0x69: {  	s5 =	sadd.s32 $0x2000, s29;
	s23 =	sor.u32 s26, s29;
	v6 =	vsel vm1, $0x0, v17;
	v11 =	vsel vm3, $0x0, v11;
	v4 =	vsel vm2, $0x0, v4  }
0x6a: {  	s14 =	sshrl.u32 s5, $0x2;
	v54 =	vld [tilespmem:s23+$0x300];
	v14 =	vsel vm5, $0x0, v49;
	v50 =	vsel vm6, $0x0, v23;
	v4 =	vadd.f32 v4, v8  }
0x6b: {  	s14 =	sor.u32 s26, s14;
	v15 =	vld [tilespmem:s23+$0x280];
	v8 =	vadd.f32 v14, v10;
	v10 =	vsel vm7, $0x0, v24;
	v9 =	vadd.f32 v50, v9  }
0x6c: {  	v14 =	vld [tilespmem:s14+$0x10080];
	v7 =	vsel vm4, $0x0, v7;
	v10 =	vadd.f32 v10, v12;
	v5 =	vadd.f32 v5, v4  }
0x6d: {  	s21 =	sor.u32 s26, s5;
	v55 =	vld [tilespmem:s23+$0x380];
	v6 =	vadd.f32 v6, v8;
	v11 =	vadd.f32 v11, v9;
	v13 =	vand.u32 $0x100, v51  }
0x6e: {  	v12 =	vld [tilespmem:s21+$0x200];
	v52 =	vand.u32 $0x1010101, v51;
	v53 =	vand.u32 $0x10000, v51;
	v17 =	vand.u32 $0x1000000, v51  }
0x6f: {  	v8 =	vld [tilespmem:s21+$0x280];
	v7 =	vadd.f32 v7, v10;
	v10 =	vand.u32 $0x1, v51;
	vm9 =	veq.s32 v13, $0x0  }
0x70: {  	v9 =	vld [tilespmem:s23+$0x200];
	vm10 =	veq.s32 v53, $0x0;
	vm11 =	veq.s32 v17, $0x0;
	vm0 =	veq.s32 v10, $0x0  }
0x71: {  	s31 =	simm.s32 $0x80;
	v10 =	vld [tilespmem:s21+$0x300];
	v15 =	vsel vm9, $0x0, v15;
	v4 =	vand.u32 $0x1010101, v14;
	v56 =	vand.u32 $0x1, v14  }
0x72: {  	s30 =	simm.s32 $0x10;
	s28 =	sand.u32 $0x7FFFFC00, s31;
	v57 =	vand.u32 $0x100, v14;
	v58 =	vand.u32 $0x10000, v14;
	v13 =	vand.u32 $0x1000000, v14;
	v14 =	vld [tilespmem:s21+$0x380]  }
0x73: {  	s5 =	sand.u32 $0x70, s30;
	s23 =	sadd.s32 $0x2000, s28;
	v59 =	vsel vm10, $0x0, v54;
	v60 =	vsel vm11, $0x0, v55;
	s21 =	sshrl.u32 s28, $0x2;
	v15 =	vadd.f32 v15, v6  }
0x74: {  	v11 =	vadd.f32 v59, v11;
	vm12 =	veq.s32 v56, $0x0;
	vm13 =	veq.s32 v57, $0x0;
	s0 =	sor.u32 s5, s21;
	s21 =	sshrl.u32 s23, $0x2  }
0x75: {  	vm14 =	veq.s32 v58, $0x0;
	vm15 =	veq.s32 v13, $0x0;
	v13 =	vsel vm0, $0x0, v9;
	v9 =	vld [tilespmem:s0+$0x10080];
	s31 =	sor.u32 s5, s21  }
0x76: {  	v61 =	vsel vm12, $0x0, v12;
	v62 =	vsel vm13, $0x0, v8;
	s0 =	sor.u32 s5, s23;
	v8 =	vld [tilespmem:s31+$0x10080];
	v63 =	vadd.f32 v13, v5  }
0x77: {  	v12 =	vadd.f32 v60, v7;
	v5 =	vld [tilespmem:s0+$0x200];
	v10 =	vsel vm14, $0x0, v10;
	v13 =	vsel vm15, $0x0, v14  }
0x78: {  	s1 =	simm.s32 $0x100;
	s14 =	sor.u32 s5, s28;
	v6 =	vld [tilespmem:s0+$0x280];
	v14 =	vadd.s32 v3, v52;
	v7 =	vadd.f32 v61, v63;
	v3 =	vadd.f32 v62, v15  }
.LBB2_7:
0x79: {  	p0 =	sne.s32 s1, $0x1F80;
	v15 =	vld [tilespmem:s14+$0x200];
	v11 =	vadd.f32 v10, v11;
	v12 =	vadd.f32 v13, v12;
	v14 =	vadd.s32 v4, v14  }
0x7a: {  	v10 =	vand.u32 $0x1, v9;
	v13 =	vand.u32 $0x100, v9;
	v16 =	vld [tilespmem:s14+$0x280];
	v17 =	vand.u32 $0x1010101, v9  }
0x7b: {  	v18 =	vand.u32 $0x10000, v9;
	v9 =	vand.u32 $0x1000000, v9;
	v19 =	vld [tilespmem:s14+$0x300];
	v4 =	vand.u32 $0x1010101, v8  }
0x7c: {  	v21 =	vand.u32 $0x1, v8;
	v22 =	vand.u32 $0x100, v8;
	v23 =	vand.u32 $0x10000, v8;
	v20 =	vld [tilespmem:s14+$0x380]  }
0x7d: {  	vm0 =	veq.s32 v10, $0x0;
	vm1 =	veq.s32 v13, $0x0;
	v8 =	vand.u32 $0x1000000, v8;
	v10 =	vld [tilespmem:s0+$0x300]  }
0x7e: {  	s30 =	sadd.s32 $0x10, s30;
	vm2 =	veq.s32 v18, $0x0;
	vm3 =	veq.s32 v9, $0x0;
	s14 =	sand.u32 $0x7FFFFC00, s1;
	vm4 =	veq.s32 v21, $0x0;
	v13 =	vld [tilespmem:s0+$0x380]  }
0x7f: {  	s21 =	sand.u32 $0x70, s30;
	vm5 =	veq.s32 v22, $0x0;
	vm6 =	veq.s32 v23, $0x0;
	vm7 =	veq.s32 v8, $0x0;
	s31 =	sadd.s32 $0x2000, s14;
	s0 =	sshrl.u32 s14, $0x2  }
.Ltmp4:
0x80: {  	s23 =	sshrl.u32 s31, $0x2;
	v15 =	vsel vm0, $0x0, v15;
	s0 =	sor.u32 s21, s0;
	v16 =	vsel vm1, $0x0, v16;
	v18 =	vsel vm2, $0x0, v19;
	(pc) =	sbr.rel @p0 .LBB2_7-.Ltmp4, $4  }
0x81: {  	v21 =	vsel vm5, $0x0, v6;
	v9 =	vld [tilespmem:s0+$0x10080];
	s0 =	sor.u32 s21, s23;
	v19 =	vsel vm3, $0x0, v20;
	v20 =	vsel vm4, $0x0, v5  }
0x82: {  	v7 =	vadd.f32 v15, v7;
	v3 =	vadd.f32 v16, v3;
	v8 =	vld [tilespmem:s0+$0x10080];
	s0 =	sor.u32 s21, s31;
	v10 =	vsel vm6, $0x0, v10  }
0x83: {  	v11 =	vadd.f32 v18, v11;
	v12 =	vadd.f32 v19, v12;
	v5 =	vld [tilespmem:s0+$0x200];
	v13 =	vsel vm7, $0x0, v13  }
0x84: {  	v14 =	vadd.s32 v14, v17;
	s1 =	sadd.s32 $0x80, s1;
	s14 =	sor.u32 s21, s14;
	v7 =	vadd.f32 v20, v7;
	v3 =	vadd.f32 v21, v3;
	v6 =	vld [tilespmem:s0+$0x280]  }
0x85: {  	v10 =	vadd.f32 v10, v11  }
0x86: {  	v11 =	vadd.f32 v13, v12;
	v4 =	vadd.s32 v4, v14;
	v12 =	vand.u32 $0x1, v9  }
0x87: {  	v15 =	vld [tilespmem:s14+$0x200];
	v14 =	vand.u32 $0x100, v9;
	v16 =	vand.u32 $0x1010101, v9;
	v17 =	vand.u32 $0x10000, v9  }
0x88: {  	v13 =	vld [tilespmem:s14+$0x280];
	v9 =	vand.u32 $0x1000000, v9;
	v19 =	vand.u32 $0x1010101, v8;
	v21 =	vand.u32 $0x1, v8  }
0x89: {  	v18 =	vld [tilespmem:s14+$0x300];
	v22 =	vand.u32 $0x100, v8;
	v23 =	vand.u32 $0x10000, v8;
	vm0 =	veq.s32 v12, $0x0  }
0x8a: {  	v20 =	vld [tilespmem:s14+$0x380];
	vm1 =	veq.s32 v14, $0x0;
	v8 =	vand.u32 $0x1000000, v8;
	vm2 =	veq.s32 v17, $0x0  }
0x8b: {  	s1 =	sadd.s32 $0x6000, s29;
	v12 =	vld [tilespmem:s0+$0x300];
	vm3 =	veq.s32 v9, $0x0;
	v4 =	vadd.s32 v4, v16;
	vm4 =	veq.s32 v21, $0x0  }
0x8c: {  	s5 =	sshrl.u32 s1, $0x2;
	v9 =	vld [tilespmem:s0+$0x380];
	vm5 =	veq.s32 v22, $0x0;
	vm6 =	veq.s32 v23, $0x0;
	vm7 =	veq.s32 v8, $0x0  }
0x8d: {  	s31 =	sadd.s32 $0x4000, s29;
	s14 =	sor.u32 s26, s5;
	v4 =	vadd.s32 v19, v4;
	v5 =	vsel vm4, $0x0, v5;
	v6 =	vsel vm5, $0x0, v6  }
0x8e: {  	s0 =	sor.u32 s26, s31;
	v17 =	vld [tilespmem:s14+$0x10080];
	v8 =	vsel vm0, $0x0, v15;
	v13 =	vsel vm1, $0x0, v13;
	v14 =	vsel vm2, $0x0, v18  }
0x8f: {  	s21 =	sshrl.u32 s31, $0x2;
	v19 =	vld [tilespmem:s0+$0x280];
	v15 =	vsel vm3, $0x0, v20;
	v7 =	vadd.f32 v8, v7;
	v3 =	vadd.f32 v13, v3  }
0x90: {  	s21 =	sor.u32 s26, s21;
	v24 =	vld [tilespmem:s0+$0x300];
	v10 =	vadd.f32 v14, v10;
	v11 =	vadd.f32 v15, v11;
	v12 =	vsel vm6, $0x0, v12  }
0x91: {  	s1 =	sor.u32 s26, s1;
	v8 =	vld [tilespmem:s21+$0x10080];
	v9 =	vsel vm7, $0x0, v9;
	v7 =	vadd.f32 v5, v7;
	v14 =	vadd.f32 v6, v3  }
0x92: {  	v13 =	vld [tilespmem:s1+$0x200];
	v15 =	vadd.f32 v12, v10;
	v16 =	vadd.f32 v9, v11;
	v5 =	vimm.s32 $0x0  }
0x93: {  	v10 =	vld [tilespmem:s1+$0x280];
	v11 =	vand.u32 $0x1, v17;
	v3 =	vand.u32 $0x1010101, v17;
	v12 =	vand.u32 $0x100, v17  }
0x94: {  	v9 =	vld [tilespmem:s1+$0x300];
	v60 =	vand.u32 $0x10000, v17;
	v17 =	vand.u32 $0x1000000, v17;
	vm0 =	veq.s32 v11, $0x0  }
0x95: {  	v18 =	vld [tilespmem:s0+$0x200];
	vm9 =	veq.s32 v12, $0x0;
	vm11 =	veq.s32 v60, $0x0;
	vm12 =	veq.s32 v17, $0x0  }
0x96: {  	s23 =	sadd.s32 $0x6000, s28;
	s28 =	sadd.s32 $0x4000, s28;
	s26 =	simm.s32 $0x10;
	v25 =	vld [tilespmem:s0+$0x380];
	v6 =	vand.u32 $0x1010101, v8;
	v61 =	vand.u32 $0x1, v8;
	v62 =	vand.u32 $0x100, v8  }
0x97: {  	s31 =	sshrl.u32 s28, $0x2;
	s29 =	sand.u32 $0x70, s26;
	v17 =	vld [tilespmem:s1+$0x380];
	v63 =	vand.u32 $0x10000, v8;
	v8 =	vand.u32 $0x1000000, v8;
	v11 =	vsel vm0, $0x0, v13  }
0x98: {  	s30 =	sshrl.u32 s23, $0x2;
	s14 =	sor.u32 s29, s31;
	vm10 =	veq.s32 v61, $0x0;
	vm13 =	veq.s32 v62, $0x0;
	vm14 =	veq.s32 v63, $0x0  }
0x99: {  	s1 =	sor.u32 s29, s30;
	vm15 =	veq.s32 v8, $0x0;
	v8 =	vld [tilespmem:s14+$0x10080];
	v12 =	vsel vm9, $0x0, v10;
	v10 =	vsel vm11, $0x0, v9  }
0x9a: {  	v9 =	vld [tilespmem:s1+$0x10080];
	v13 =	vsel vm10, $0x0, v18;
	v18 =	vsel vm13, $0x0, v19;
	v19 =	vsel vm14, $0x0, v24  }
0x9b: {  	s1 =	sor.u32 s29, s23;
	v13 =	vadd.f32 v13, v7;
	v14 =	vadd.f32 v18, v14;
	v18 =	vsel vm15, $0x0, v25  }
0x9c: {  	s0 =	simm.s32 $0x100;
	v7 =	vld [tilespmem:s1+$0x200];
	v15 =	vadd.f32 v19, v15;
	v17 =	vsel vm12, $0x0, v17;
	v16 =	vadd.f32 v18, v16  }
.LBB2_9:
0x9d: {  	p0 =	sne.s32 s0, $0x1F80;
	v18 =	vld [tilespmem:s1+$0x280];
	v5 =	vadd.s32 v5, v6;
	v13 =	vadd.f32 v11, v13;
	v14 =	vadd.f32 v12, v14  }
0x9e: {  	s14 =	sor.u32 s29, s28;
	v19 =	vld [tilespmem:s1+$0x300];
	v15 =	vadd.f32 v10, v15;
	v16 =	vadd.f32 v17, v16;
	v5 =	vadd.s32 v3, v5  }
0x9f: {  	v10 =	vand.u32 $0x1, v9;
	v3 =	vand.u32 $0x1010101, v9;
	v17 =	vld [tilespmem:s14+$0x200];
	v6 =	vand.u32 $0x1010101, v8  }
0xa0: {  	v11 =	vand.u32 $0x100, v9;
	v12 =	vand.u32 $0x10000, v9;
	v9 =	vand.u32 $0x1000000, v9;
	v20 =	vld [tilespmem:s14+$0x280]  }
0xa1: {  	s21 =	sand.u32 $0x7FFFFC00, s0;
	v21 =	vand.u32 $0x1, v8;
	v22 =	vand.u32 $0x100, v8;
	v23 =	vand.u32 $0x10000, v8;
	v24 =	vld [tilespmem:s14+$0x300]  }
0xa2: {  	s26 =	sadd.s32 $0x10, s26;
	s23 =	sadd.s32 $0x6000, s21;
	v8 =	vand.u32 $0x1000000, v8;
	vm0 =	veq.s32 v10, $0x0;
	vm1 =	veq.s32 v11, $0x0;
	v25 =	vld [tilespmem:s14+$0x380]  }
0xa3: {  	s29 =	sand.u32 $0x70, s26;
	s28 =	sadd.s32 $0x4000, s21;
	vm3 =	veq.s32 v12, $0x0;
	vm4 =	veq.s32 v9, $0x0;
	vm2 =	veq.s32 v21, $0x0;
	s14 =	sshrl.u32 s23, $0x2;
	v21 =	vld [tilespmem:s1+$0x380]  }
.Ltmp5:
0xa4: {  	vm5 =	veq.s32 v22, $0x0;
	vm6 =	veq.s32 v23, $0x0;
	vm7 =	veq.s32 v8, $0x0;
	s1 =	sshrl.u32 s28, $0x2;
	s14 =	sor.u32 s29, s14;
	(pc) =	sbr.rel @p0 .LBB2_9-.Ltmp5, $4  }
0xa5: {  	v11 =	vsel vm0, $0x0, v7;
	v12 =	vsel vm1, $0x0, v18;
	v10 =	vsel vm3, $0x0, v19;
	s1 =	sor.u32 s29, s1;
	v9 =	vld [tilespmem:s14+$0x10080]  }
0xa6: {  	v7 =	vsel vm2, $0x0, v17;
	v17 =	vsel vm5, $0x0, v20;
	v8 =	vld [tilespmem:s1+$0x10080];
	v18 =	vsel vm6, $0x0, v24  }
0xa7: {  	v13 =	vadd.f32 v7, v13;
	s1 =	sor.u32 s29, s23;
	v14 =	vadd.f32 v17, v14;
	v17 =	vsel vm7, $0x0, v25  }
0xa8: {  	s0 =	sadd.s32 $0x80, s0;
	v15 =	vadd.f32 v18, v15;
	v7 =	vld [tilespmem:s1+$0x200];
	v16 =	vadd.f32 v17, v16;
	v17 =	vsel vm4, $0x0, v21  }
0xa9: {  	v18 =	vld [tilespmem:s1+$0x280];
	v11 =	vadd.f32 v11, v13;
	v12 =	vadd.f32 v12, v14  }
0xaa: {  	v5 =	vadd.s32 v5, v6;
	s0 =	sor.u32 s29, s28;
	v6 =	vld [tilespmem:s1+$0x300];
	v10 =	vadd.f32 v10, v15;
	v13 =	vadd.f32 v17, v16  }
0xab: {  	v3 =	vadd.s32 v3, v5;
	v5 =	vld [tilespmem:s0+$0x200];
	v15 =	vand.u32 $0x1, v9;
	v16 =	vand.u32 $0x1010101, v9  }
0xac: {  	s26 =	sshll.u32 s25, $0x4;
	p0 =	seq.s32 s25, $0x1F;
	v17 =	vld [tilespmem:s0+$0x280];
	v19 =	vand.u32 $0x100, v9;
	v20 =	vand.u32 $0x10000, v9;
	v9 =	vand.u32 $0x1000000, v9  }
0xad: {  	v23 =	vld [tilespmem:s0+$0x300];
	s14 =	sadd.s32 @!p0 s26, s9;
	v14 =	vand.u32 $0x1010101, v8;
	v21 =	vand.u32 $0x1, v8;
	v22 =	vand.u32 $0x100, v8  }
0xae: {  	v25 =	vld [tilespmem:s0+$0x380];
	v24 =	vand.u32 $0x10000, v8;
	v8 =	vand.u32 $0x1000000, v8;
	vm0 =	veq.s32 v15, $0x0;
	s0 =	sshll.u32 @!p0 s14, $0x9  }
0xaf: {  	vm1 =	veq.s32 v19, $0x0;
	vm3 =	veq.s32 v20, $0x0;
	v15 =	vld [tilespmem:s1+$0x380];
	s1 =	simm.s32 @!p0 $0x0;
	vm4 =	veq.s32 v9, $0x0;
	s0 =	sadd.s32 @!p0 s2, s0  }
0xb0: {  	vm2 =	veq.s32 v21, $0x0;
	vm5 =	veq.s32 v22, $0x0;
	vm6 =	veq.s32 v24, $0x0;
	[tilespmem:s1], [sflag:$0x1] =	stream.linear.gather @!p0 [hbm4b:s0+s1], $0x8000, $0x38;
	[tilespmem:$0x14100] =	vst v63  }
0xb1: {  	vm7 =	veq.s32 v8, $0x0;
	v3 =	vadd.s32 v3, v14;
	v14 =	vshrl.u32 v2, $0x18;
	s0 =	sshll.u32 @!p0 s14, $0x7  }
0xb2: {  	v7 =	vsel vm0, $0x0, v7;
	s14 =	simm.s32 @!p0 $0x10000;
	v8 =	vsel vm1, $0x0, v18;
	s0 =	sadd.s32 @!p0 s3, s0;
	v6 =	vsel vm3, $0x0, v6  }
0xb3: {  	v5 =	vsel vm2, $0x0, v5;
	v9 =	vsel vm5, $0x0, v17;
	v17 =	vsel vm6, $0x0, v23;
	[tilespmem:s14], [sflag:$0x3] =	stream.linear.gather @!p0 [hbm4b:s0+s1], $0x2000, $0x38;
	[tilespmem:$0x14100] =	vst v63  }
0xb4: {  	v5 =	vadd.f32 v5, v11;
	v9 =	vadd.f32 v9, v12;
	v11 =	vsel vm7, $0x0, v25;
	_ =	swait.ge [sflag:s19], $0x8000  }
0xb5: {  	v10 =	vadd.f32 v17, v10;
	v12 =	vsel vm4, $0x0, v15;
	v15 =	vshrl.u32 v1, $0x18;
	[sflag:s19] =	ssyncset.done $0x0  }
0xb6: {  	s28 =	simm.s32 $0x0;
	v17 =	vimm.s32 $0x0;
	v11 =	vadd.f32 v11, v13;
	v18 =	vadd.f32 v7, v5;
	[sflag:s19] =	ssyncadd.s32 $0xFFFF8000  }
0xb7: {  	s21 =	sand.u32 $0x7FFFFC00, s28;
	v13 =	vand.u32 $0xFF, v2;
	v19 =	vadd.f32 v8, v9;
	v21 =	vadd.f32 v6, v10;
	_ =	swait.ge [sflag:s20], $0x2000  }
0xb8: {  	s23 =	sand.u32 $0x70, s28;
	s5 =	sshrl.u32 s21, $0x2;
	v5 =	vadd.s32 v16, v3;
	v3 =	vand.u32 $0xFF, v1;
	v6 =	vshrl.u32 v1, $0x8;
	[sflag:s20] =	ssyncset.done $0x0  }
0xb9: {  	s31 =	sor.u32 s23, s5;
	v26 =	vadd.f32 v12, v11;
	v11 =	vadd.s32 v0, v3;
	v0 =	vshrl.u32 v1, $0x10;
	[sflag:s20] =	ssyncadd.s32 $0xFFFFE000  }
0xba: {  	v7 =	vand.u32 $0xFF, v4;
	v12 =	vand.u32 $0xFF, v0;
	v0 =	vshrl.u32 v2, $0x8;
	v20 =	vld [tilespmem:s31+$0x12800]  }
0xbb: {  	v9 =	vshrl.u32 v4, $0x18;
	v8 =	vand.u32 $0xFF, v0;
	v0 =	vshrl.u32 v2, $0x10;
	v22 =	vld [tilespmem:s31+$0x12000]  }
0xbc: {  	s29 =	sor.u32 s23, s21;
	v10 =	vand.u32 $0xFF, v6;
	v6 =	vand.u32 $0xFF, v0;
	v0 =	vshrl.u32 v4, $0x8  }
0xbd: {  	v1 =	vshrl.u32 v5, $0x10;
	v23 =	vld [tilespmem:s29+$0xA000];
	v2 =	vand.u32 $0xFF, v0;
	v0 =	vshrl.u32 v4, $0x10  }
0xbe: {  	v1 =	vand.u32 $0xFF, v1;
	v24 =	vld [tilespmem:s29+$0xA080];
	v3 =	vand.u32 $0xFF, v0;
	v0 =	vshrl.u32 v5, $0x8  }
0xbf: {  	v25 =	vld [tilespmem:s29+$0xA100];
	v4 =	vand.u32 $0xFF, v5;
	v5 =	vshrl.u32 v5, $0x18;
	v0 =	vand.u32 $0xFF, v0  }
0xc0: {  	v27 =	vld [tilespmem:s29+$0x8000];
	v28 =	vand.u32 $0x1010101, v22;
	v29 =	vand.u32 $0x1, v20;
	v16 =	vand.u32 $0x1010101, v20  }
0xc1: {  	v30 =	vld [tilespmem:s29+$0x8080];
	v31 =	vand.u32 $0x100, v20;
	v32 =	vand.u32 $0x10000, v20;
	v20 =	vand.u32 $0x1000000, v20  }
0xc2: {  	s30 =	simm.s32 $0x80;
	v36 =	vld [tilespmem:s29+$0x8100];
	v33 =	vand.u32 $0x1, v22;
	v34 =	vand.u32 $0x100, v22;
	v35 =	vand.u32 $0x10000, v22  }
0xc3: {  	s14 =	sand.u32 $0x7FFFFC00, s30;
	s1 =	simm.s32 $0x10;
	v37 =	vld [tilespmem:s29+$0x8180];
	v22 =	vand.u32 $0x1000000, v22;
	vm0 =	veq.s32 v29, $0x0;
	vm9 =	veq.s32 v31, $0x0  }
0xc4: {  	s23 =	sand.u32 $0x70, s1;
	s21 =	sshrl.u32 s14, $0x2;
	vm10 =	veq.s32 v33, $0x0;
	vm11 =	veq.s32 v32, $0x0;
	vm12 =	veq.s32 v20, $0x0  }
0xc5: {  	s21 =	sor.u32 s23, s21;
	v29 =	vld [tilespmem:s29+$0xA180];
	vm13 =	veq.s32 v34, $0x0;
	vm14 =	veq.s32 v35, $0x0;
	vm15 =	veq.s32 v22, $0x0  }
0xc6: {  	v22 =	vld [tilespmem:s21+$0x12000];
	v31 =	vsel vm0, $0x0, v23;
	v63 =	vsel vm9, $0x0, v24;
	v24 =	vsel vm11, $0x0, v25  }
0xc7: {  	v23 =	vld [tilespmem:s21+$0x12800];
	v20 =	vsel vm10, $0x0, v27;
	v25 =	vsel vm13, $0x0, v30;
	v27 =	vsel vm14, $0x0, v36  }
0xc8: {  	s0 =	sor.u32 s23, s14;
	v30 =	vsel vm15, $0x0, v37;
	v18 =	vadd.f32 v20, v18;
	v19 =	vadd.f32 v25, v19  }
0xc9: {  	v28 =	vadd.s32 v17, v28;
	v20 =	vld [tilespmem:s0+$0xA000];
	v25 =	vadd.f32 v27, v21;
	v26 =	vadd.f32 v30, v26  }
0xca: {  	s14 =	simm.s32 $0x100;
	v21 =	vld [tilespmem:s0+$0xA080];
	v18 =	vadd.f32 v31, v18;
	v19 =	vadd.f32 v63, v19;
	v27 =	vsel vm12, $0x0, v29  }
.LBB2_11:
0xcb: {  	p1 =	sne.s32 s14, $0x1F80;
	v29 =	vld [tilespmem:s0+$0xA100];
	v25 =	vadd.f32 v24, v25;
	v26 =	vadd.f32 v27, v26;
	v28 =	vadd.s32 v16, v28  }
0xcc: {  	v24 =	vand.u32 $0x1, v23;
	v16 =	vand.u32 $0x1010101, v23;
	v27 =	vld [tilespmem:s0+$0x8000];
	v30 =	vand.u32 $0x1010101, v22  }
0xcd: {  	v32 =	vand.u32 $0x100, v23;
	v33 =	vand.u32 $0x10000, v23;
	v23 =	vand.u32 $0x1000000, v23;
	v31 =	vld [tilespmem:s0+$0x8080]  }
0xce: {  	v34 =	vand.u32 $0x1, v22;
	v35 =	vand.u32 $0x100, v22;
	v36 =	vand.u32 $0x10000, v22;
	v37 =	vld [tilespmem:s0+$0x8100]  }
0xcf: {  	s21 =	sand.u32 $0x7FFFFC00, s14;
	s1 =	sadd.s32 $0x10, s1;
	v22 =	vand.u32 $0x1000000, v22;
	vm0 =	veq.s32 v24, $0x0;
	vm1 =	veq.s32 v32, $0x0;
	v38 =	vld [tilespmem:s0+$0x8180]  }
0xd0: {  	s23 =	sand.u32 $0x70, s1;
	s5 =	sshrl.u32 s21, $0x2;
	vm3 =	veq.s32 v33, $0x0;
	vm4 =	veq.s32 v23, $0x0;
	vm2 =	veq.s32 v34, $0x0;
	v32 =	vld [tilespmem:s0+$0xA180]  }
0xd1: {  	vm5 =	veq.s32 v35, $0x0;
	vm6 =	veq.s32 v36, $0x0;
	vm7 =	veq.s32 v22, $0x0;
	s0 =	sor.u32 s23, s5  }
.Ltmp6:
0xd2: {  	v33 =	vsel vm0, $0x0, v20;
	v34 =	vsel vm1, $0x0, v21;
	v24 =	vsel vm3, $0x0, v29;
	v23 =	vld [tilespmem:s0+$0x12800];
	(pc) =	sbr.rel @p1 .LBB2_11-.Ltmp6, $4  }
0xd3: {  	v20 =	vsel vm2, $0x0, v27;
	v21 =	vsel vm5, $0x0, v31;
	v22 =	vld [tilespmem:s0+$0x12000];
	v27 =	vsel vm6, $0x0, v37  }
0xd4: {  	v18 =	vadd.f32 v20, v18;
	s0 =	sor.u32 s23, s21;
	v19 =	vadd.f32 v21, v19;
	v21 =	vsel vm7, $0x0, v38  }
0xd5: {  	v25 =	vadd.f32 v27, v25;
	v20 =	vld [tilespmem:s0+$0xA000];
	v26 =	vadd.f32 v21, v26;
	v27 =	vsel vm4, $0x0, v32  }
0xd6: {  	s14 =	sadd.s32 $0x80, s14;
	v28 =	vadd.s32 v28, v30;
	v18 =	vadd.f32 v33, v18;
	v19 =	vadd.f32 v34, v19;
	v21 =	vld [tilespmem:s0+$0xA080]  }
0xd7: {  	v24 =	vadd.f32 v24, v25;
	v25 =	vadd.f32 v27, v26;
	v16 =	vadd.s32 v16, v28  }
0xd8: {  	v26 =	vld [tilespmem:s0+$0x8000];
	v59 =	vand.u32 $0x1, v23;
	v30 =	vand.u32 $0x1010101, v23;
	v32 =	vand.u32 $0x100, v23  }
0xd9: {  	v31 =	vld [tilespmem:s0+$0x8080];
	v33 =	vand.u32 $0x10000, v23;
	v23 =	vand.u32 $0x1000000, v23;
	v27 =	vand.u32 $0x1010101, v22  }
0xda: {  	v38 =	vld [tilespmem:s0+$0x8180];
	v34 =	vand.u32 $0x1, v22;
	v35 =	vand.u32 $0x100, v22;
	v36 =	vand.u32 $0x10000, v22  }
0xdb: {  	v37 =	vld [tilespmem:s0+$0x8100];
	v22 =	vand.u32 $0x1000000, v22;
	vm0 =	veq.s32 v59, $0x0;
	vm1 =	veq.s32 v32, $0x0  }
0xdc: {  	v29 =	vld [tilespmem:s0+$0xA100];
	vm3 =	veq.s32 v33, $0x0;
	vm4 =	veq.s32 v23, $0x0;
	vm2 =	veq.s32 v34, $0x0  }
0xdd: {  	v23 =	vld [tilespmem:s0+$0xA180];
	vm5 =	veq.s32 v35, $0x0;
	vm6 =	veq.s32 v36, $0x0;
	vm7 =	veq.s32 v22, $0x0  }
0xde: {  	v22 =	vsel vm1, $0x0, v21;
	v21 =	vsel vm2, $0x0, v26;
	v26 =	vsel vm5, $0x0, v31  }
0xdf: {  	v18 =	vadd.f32 v21, v18;
	v19 =	vadd.f32 v26, v19;
	v21 =	vsel vm7, $0x0, v38;
	v26 =	vld [tilespmem:s31+$0x13800]  }
0xe0: {  	v16 =	vadd.s32 v16, v27;
	v61 =	vsel vm6, $0x0, v37;
	v62 =	vadd.f32 v21, v25;
	v25 =	vld [tilespmem:s31+$0x13000]  }
0xe1: {  	v20 =	vsel vm0, $0x0, v20;
	v60 =	vsel vm3, $0x0, v29;
	v24 =	vadd.f32 v61, v24  }
0xe2: {  	v63 =	vsel vm4, $0x0, v23;
	v23 =	vld [tilespmem:s29+$0xE000];
	v21 =	vadd.f32 v20, v18;
	v22 =	vadd.f32 v22, v19  }
0xe3: {  	v16 =	vadd.s32 v30, v16;
	v19 =	vadd.f32 v60, v24;
	v24 =	vld [tilespmem:s29+$0xE080];
	v20 =	vadd.f32 v63, v62  }
.LBB2_13:
0xe4: {  	p1 =	sne.s32 s30, $0x1F80;
	v18 =	vld [tilespmem:s29+$0xE100]  }
0xe5: {  	v29 =	vand.u32 $0x1, v26;
	v30 =	vand.u32 $0x1010101, v26;
	v27 =	vld [tilespmem:s29+$0xC000];
	v28 =	vand.u32 $0x1010101, v25  }
0xe6: {  	v32 =	vand.u32 $0x100, v26;
	v33 =	vand.u32 $0x10000, v26;
	v26 =	vand.u32 $0x1000000, v26;
	v31 =	vld [tilespmem:s29+$0xC080]  }
0xe7: {  	v34 =	vand.u32 $0x1, v25;
	v35 =	vand.u32 $0x100, v25;
	v36 =	vand.u32 $0x10000, v25;
	v37 =	vld [tilespmem:s29+$0xC100]  }
0xe8: {  	v25 =	vand.u32 $0x1000000, v25;
	vm0 =	veq.s32 v29, $0x0;
	vm1 =	veq.s32 v32, $0x0;
	v38 =	vld [tilespmem:s29+$0xC180]  }
0xe9: {  	s0 =	sand.u32 $0x7FFFFC00, s30;
	s28 =	sadd.s32 $0x10, s28;
	vm3 =	veq.s32 v33, $0x0;
	vm4 =	veq.s32 v26, $0x0;
	vm2 =	veq.s32 v34, $0x0;
	v29 =	vld [tilespmem:s29+$0xE180]  }
0xea: {  	s1 =	sand.u32 $0x70, s28;
	s5 =	sshrl.u32 s0, $0x2;
	vm5 =	veq.s32 v35, $0x0;
	vm6 =	veq.s32 v36, $0x0;
	vm7 =	veq.s32 v25, $0x0  }
0xeb: {  	s5 =	sor.u32 s1, s5;
	v32 =	vsel vm0, $0x0, v23;
	v24 =	vsel vm1, $0x0, v24;
	v18 =	vsel vm3, $0x0, v18  }
.Ltmp7:
0xec: {  	v23 =	vsel vm2, $0x0, v27;
	v27 =	vsel vm5, $0x0, v31;
	v26 =	vld [tilespmem:s5+$0x13800];
	v31 =	vsel vm6, $0x0, v37;
	(pc) =	sbr.rel @p1 .LBB2_13-.Ltmp7, $4  }
0xed: {  	v21 =	vadd.f32 v23, v21;
	v22 =	vadd.f32 v27, v22;
	v25 =	vld [tilespmem:s5+$0x13000];
	v23 =	vsel vm7, $0x0, v38  }
0xee: {  	s29 =	sor.u32 s1, s0;
	v19 =	vadd.f32 v31, v19;
	v20 =	vadd.f32 v23, v20;
	v27 =	vsel vm4, $0x0, v29  }
0xef: {  	v17 =	vadd.s32 v17, v28;
	v21 =	vadd.f32 v32, v21;
	v22 =	vadd.f32 v24, v22;
	v23 =	vld [tilespmem:s29+$0xE000]  }
0xf0: {  	s30 =	sadd.s32 $0x80, s30;
	v17 =	vadd.s32 v30, v17;
	v19 =	vadd.f32 v18, v19;
	v24 =	vld [tilespmem:s29+$0xE080];
	v20 =	vadd.f32 v27, v20  }
0xf1: {  	v18 =	vimm.s32 $0x0;
	v27 =	vld [tilespmem:s29+$0xE100]  }
0xf2: {  	v28 =	vld [tilespmem:s29+$0xC000];
	v30 =	vand.u32 $0x1, v26;
	v31 =	vand.u32 $0x1010101, v26;
	v33 =	vand.u32 $0x100, v26  }
0xf3: {  	v32 =	vld [tilespmem:s29+$0xC080];
	v34 =	vand.u32 $0x10000, v26;
	v26 =	vand.u32 $0x1000000, v26;
	v29 =	vand.u32 $0x1010101, v25  }
0xf4: {  	v38 =	vld [tilespmem:s29+$0xC100];
	v35 =	vand.u32 $0x1, v25;
	v36 =	vand.u32 $0x100, v25;
	v37 =	vand.u32 $0x10000, v25  }
0xf5: {  	s0 =	simm.s32 $0x0;
	v39 =	vld [tilespmem:s29+$0xC180];
	v25 =	vand.u32 $0x1000000, v25;
	vm0 =	veq.s32 v30, $0x0;
	vm1 =	veq.s32 v33, $0x0  }
0xf6: {  	s1 =	sand.u32 $0x7FFFFC00, s0;
	vm3 =	veq.s32 v34, $0x0;
	vm4 =	veq.s32 v26, $0x0;
	vm2 =	veq.s32 v35, $0x0  }
0xf7: {  	v26 =	vld [tilespmem:s29+$0xE180];
	s0 =	sand.u32 $0x70, s0;
	s5 =	sshrl.u32 s1, $0x2;
	vm5 =	veq.s32 v36, $0x0;
	vm6 =	veq.s32 v37, $0x0;
	vm7 =	veq.s32 v25, $0x0  }
0xf8: {  	v17 =	vadd.s32 v17, v29;
	s30 =	sor.u32 s0, s5;
	v23 =	vsel vm0, $0x0, v23;
	v25 =	vsel vm3, $0x0, v27  }
0xf9: {  	v53 =	vld [tilespmem:s30+$0x12080];
	v28 =	vsel vm2, $0x0, v28;
	v30 =	vsel vm5, $0x0, v32;
	v52 =	vsel vm6, $0x0, v38  }
0xfa: {  	s28 =	sor.u32 s0, s1;
	v27 =	vld [tilespmem:s30+$0x12880];
	v21 =	vadd.f32 v28, v21;
	v22 =	vadd.f32 v30, v22;
	v28 =	vsel vm7, $0x0, v39  }
0xfb: {  	v54 =	vld [tilespmem:s28+$0x8280];
	v24 =	vsel vm1, $0x0, v24;
	v19 =	vadd.f32 v52, v19;
	v20 =	vadd.f32 v28, v20  }
0xfc: {  	v59 =	vld [tilespmem:s28+$0x8300];
	v26 =	vsel vm4, $0x0, v26;
	v21 =	vadd.f32 v23, v21;
	v22 =	vadd.f32 v24, v22  }
0xfd: {  	v17 =	vadd.s32 v31, v17;
	v30 =	vld [tilespmem:s28+$0x8200];
	v29 =	vadd.f32 v25, v19;
	v20 =	vadd.f32 v26, v20  }
0xfe: {  	v28 =	vld [tilespmem:s28+$0xA200];
	v31 =	vand.u32 $0x1010101, v53;
	v56 =	vand.u32 $0x1, v53;
	v57 =	vand.u32 $0x100, v53  }
0xff: {  	v23 =	vld [tilespmem:s28+$0xA280];
	v58 =	vand.u32 $0x10000, v53;
	v33 =	vand.u32 $0x1000000, v53;
	v25 =	vand.u32 $0x1, v27  }
0x100: {  	s14 =	simm.s32 $0x80;
	v24 =	vld [tilespmem:s28+$0xA300];
	v19 =	vand.u32 $0x1010101, v27;
	v26 =	vand.u32 $0x100, v27;
	v55 =	vand.u32 $0x10000, v27  }
0x101: {  	s29 =	sand.u32 $0x7FFFFC00, s14;
	s1 =	simm.s32 $0x10;
	v60 =	vld [tilespmem:s28+$0x8380];
	v27 =	vand.u32 $0x1000000, v27;
	vm10 =	veq.s32 v56, $0x0;
	vm13 =	veq.s32 v57, $0x0  }
0x102: {  	s31 =	sshrl.u32 s29, $0x2;
	v61 =	vld [tilespmem:s28+$0xA380];
	s21 =	sand.u32 $0x70, s1;
	vm14 =	veq.s32 v58, $0x0;
	vm15 =	veq.s32 v33, $0x0;
	vm0 =	veq.s32 v25, $0x0  }
0x103: {  	s23 =	sor.u32 s21, s31;
	vm9 =	veq.s32 v26, $0x0;
	vm11 =	veq.s32 v55, $0x0;
	vm12 =	veq.s32 v27, $0x0  }
0x104: {  	v25 =	vld [tilespmem:s23+$0x12880];
	v27 =	vsel vm13, $0x0, v54;
	v62 =	vsel vm0, $0x0, v28;
	v28 =	vsel vm14, $0x0, v59  }
0x105: {  	v63 =	vsel vm9, $0x0, v23;
	v26 =	vsel vm11, $0x0, v24;
	v23 =	vsel vm10, $0x0, v30;
	v24 =	vld [tilespmem:s23+$0x12080]  }
0x106: {  	s0 =	sor.u32 s21, s29;
	v32 =	vadd.f32 v27, v22;
	v21 =	vadd.f32 v23, v21;
	v23 =	vsel vm15, $0x0, v60  }
0x107: {  	v22 =	vld [tilespmem:s0+$0xA200];
	v27 =	vadd.f32 v28, v29;
	v29 =	vsel vm12, $0x0, v61;
	v28 =	vadd.f32 v23, v20  }
0x108: {  	s14 =	simm.s32 $0x100;
	v30 =	vadd.s32 v18, v31;
	v23 =	vld [tilespmem:s0+$0xA280];
	v20 =	vadd.f32 v62, v21;
	v21 =	vadd.f32 v63, v32  }
.LBB2_15:
0x109: {  	p1 =	sne.s32 s14, $0x1F80;
	v31 =	vld [tilespmem:s0+$0xA300];
	v27 =	vadd.f32 v26, v27;
	v28 =	vadd.f32 v29, v28;
	v30 =	vadd.s32 v19, v30  }
0x10a: {  	v26 =	vand.u32 $0x1, v25;
	v19 =	vand.u32 $0x1010101, v25;
	v29 =	vld [tilespmem:s0+$0x8200];
	v32 =	vand.u32 $0x1010101, v24  }
0x10b: {  	v34 =	vand.u32 $0x100, v25;
	v35 =	vand.u32 $0x10000, v25;
	v25 =	vand.u32 $0x1000000, v25;
	v33 =	vld [tilespmem:s0+$0x8280]  }
0x10c: {  	v36 =	vand.u32 $0x1, v24;
	v37 =	vand.u32 $0x100, v24;
	v38 =	vand.u32 $0x10000, v24;
	v39 =	vld [tilespmem:s0+$0x8300]  }
0x10d: {  	s5 =	sand.u32 $0x7FFFFC00, s14;
	s1 =	sadd.s32 $0x10, s1;
	v24 =	vand.u32 $0x1000000, v24;
	vm0 =	veq.s32 v26, $0x0;
	vm1 =	veq.s32 v34, $0x0;
	v40 =	vld [tilespmem:s0+$0x8380]  }
0x10e: {  	s21 =	sand.u32 $0x70, s1;
	s23 =	sshrl.u32 s5, $0x2;
	vm3 =	veq.s32 v35, $0x0;
	vm4 =	veq.s32 v25, $0x0;
	vm2 =	veq.s32 v36, $0x0;
	v34 =	vld [tilespmem:s0+$0xA380]  }
0x10f: {  	vm5 =	veq.s32 v37, $0x0;
	vm6 =	veq.s32 v38, $0x0;
	vm7 =	veq.s32 v24, $0x0;
	s0 =	sor.u32 s21, s23  }
.Ltmp8:
0x110: {  	v35 =	vsel vm0, $0x0, v22;
	v36 =	vsel vm1, $0x0, v23;
	v26 =	vsel vm3, $0x0, v31;
	v25 =	vld [tilespmem:s0+$0x12880];
	(pc) =	sbr.rel @p1 .LBB2_15-.Ltmp8, $4  }
0x111: {  	v22 =	vsel vm2, $0x0, v29;
	v23 =	vsel vm5, $0x0, v33;
	v24 =	vld [tilespmem:s0+$0x12080];
	v29 =	vsel vm6, $0x0, v39  }
0x112: {  	v20 =	vadd.f32 v22, v20;
	s0 =	sor.u32 s21, s5;
	v21 =	vadd.f32 v23, v21;
	v23 =	vsel vm7, $0x0, v40  }
0x113: {  	v27 =	vadd.f32 v29, v27;
	v22 =	vld [tilespmem:s0+$0xA200];
	v28 =	vadd.f32 v23, v28;
	v29 =	vsel vm4, $0x0, v34  }
0x114: {  	s14 =	sadd.s32 $0x80, s14;
	v30 =	vadd.s32 v30, v32;
	v20 =	vadd.f32 v35, v20;
	v21 =	vadd.f32 v36, v21;
	v23 =	vld [tilespmem:s0+$0xA280]  }
0x115: {  	v31 =	vld [tilespmem:s0+$0xA300];
	v26 =	vadd.f32 v26, v27;
	v27 =	vadd.f32 v29, v28;
	v19 =	vadd.s32 v19, v30  }
0x116: {  	v28 =	vld [tilespmem:s0+$0x8200];
	v30 =	vand.u32 $0x1, v25;
	v32 =	vand.u32 $0x1010101, v25;
	v34 =	vand.u32 $0x100, v25  }
0x117: {  	v33 =	vld [tilespmem:s0+$0x8280];
	v35 =	vand.u32 $0x10000, v25;
	v25 =	vand.u32 $0x1000000, v25;
	v29 =	vand.u32 $0x1010101, v24  }
0x118: {  	v39 =	vld [tilespmem:s0+$0x8300];
	v36 =	vand.u32 $0x1, v24;
	v37 =	vand.u32 $0x100, v24;
	v38 =	vand.u32 $0x10000, v24  }
0x119: {  	v52 =	vld [tilespmem:s30+$0x13080];
	v24 =	vand.u32 $0x1000000, v24;
	vm0 =	veq.s32 v30, $0x0;
	vm1 =	veq.s32 v34, $0x0  }
0x11a: {  	vm3 =	veq.s32 v35, $0x0;
	vm4 =	veq.s32 v25, $0x0;
	vm2 =	veq.s32 v36, $0x0  }
0x11b: {  	v40 =	vld [tilespmem:s0+$0x8380];
	vm5 =	veq.s32 v37, $0x0;
	vm6 =	veq.s32 v38, $0x0;
	v19 =	vadd.s32 v19, v29  }
0x11c: {  	v25 =	vld [tilespmem:s0+$0xA380];
	vm7 =	veq.s32 v24, $0x0;
	v22 =	vsel vm0, $0x0, v22;
	v19 =	vadd.s32 v32, v19  }
0x11d: {  	v30 =	vld [tilespmem:s30+$0x13880];
	v23 =	vsel vm1, $0x0, v23;
	v24 =	vsel vm3, $0x0, v31;
	v28 =	vsel vm2, $0x0, v28  }
0x11e: {  	v31 =	vsel vm5, $0x0, v33;
	v51 =	vsel vm6, $0x0, v39;
	v53 =	vand.u32 $0x1010101, v52  }
0x11f: {  	v54 =	vld [tilespmem:s28+$0xC280];
	v56 =	vand.u32 $0x1, v52;
	v57 =	vand.u32 $0x100, v52;
	v58 =	vand.u32 $0x10000, v52  }
0x120: {  	v59 =	vld [tilespmem:s28+$0xC300];
	v20 =	vadd.f32 v28, v20;
	v21 =	vadd.f32 v31, v21;
	v28 =	vsel vm7, $0x0, v40  }
0x121: {  	v34 =	vand.u32 $0x1000000, v52;
	v26 =	vadd.f32 v51, v26;
	v27 =	vadd.f32 v28, v27;
	v28 =	vld [tilespmem:s28+$0xE200]  }
0x122: {  	v25 =	vsel vm4, $0x0, v25;
	v55 =	vand.u32 $0x10000, v30;
	v21 =	vadd.f32 v23, v21;
	v23 =	vld [tilespmem:s28+$0xE280]  }
0x123: {  	vm10 =	veq.s32 v56, $0x0;
	vm13 =	veq.s32 v57, $0x0;
	v29 =	vadd.f32 v24, v26;
	v24 =	vld [tilespmem:s28+$0xE300]  }
0x124: {  	v22 =	vadd.f32 v22, v20;
	v20 =	vand.u32 $0x1010101, v30;
	v31 =	vadd.f32 v25, v27;
	v27 =	vld [tilespmem:s28+$0xC200]  }
0x125: {  	v60 =	vld [tilespmem:s28+$0xC380];
	s1 =	simm.s32 $0x10;
	v26 =	vand.u32 $0x100, v30;
	v25 =	vand.u32 $0x1, v30;
	v30 =	vand.u32 $0x1000000, v30  }
0x126: {  	s30 =	sand.u32 $0x70, s1;
	vm14 =	veq.s32 v58, $0x0;
	vm15 =	veq.s32 v34, $0x0;
	vm12 =	veq.s32 v30, $0x0;
	v30 =	vld [tilespmem:s28+$0xE380]  }
0x127: {  	s5 =	sor.u32 s30, s31;
	vm11 =	veq.s32 v55, $0x0;
	vm9 =	veq.s32 v26, $0x0;
	vm0 =	veq.s32 v25, $0x0  }
0x128: {  	v25 =	vld [tilespmem:s5+$0x13880];
	v61 =	vsel vm0, $0x0, v28;
	v28 =	vsel vm14, $0x0, v59;
	v62 =	vsel vm9, $0x0, v23  }
0x129: {  	v26 =	vsel vm11, $0x0, v24;
	v24 =	vld [tilespmem:s5+$0x13080];
	v23 =	vsel vm10, $0x0, v27;
	v27 =	vsel vm13, $0x0, v54  }
0x12a: {  	s28 =	sor.u32 s30, s29;
	v63 =	vadd.f32 v23, v22;
	v21 =	vadd.f32 v27, v21;
	v23 =	vsel vm15, $0x0, v60  }
0x12b: {  	v22 =	vld [tilespmem:s28+$0xE200];
	v27 =	vadd.f32 v28, v29;
	v29 =	vsel vm12, $0x0, v30;
	v28 =	vadd.f32 v23, v31  }
0x12c: {  	s0 =	simm.s32 $0x100;
	v30 =	vadd.s32 v18, v53;
	v23 =	vld [tilespmem:s28+$0xE280];
	v18 =	vadd.f32 v61, v63;
	v21 =	vadd.f32 v62, v21  }
.LBB2_17:
0x12d: {  	p1 =	sne.s32 s0, $0x1F80;
	v31 =	vld [tilespmem:s28+$0xE300];
	v27 =	vadd.f32 v26, v27;
	v28 =	vadd.f32 v29, v28;
	v30 =	vadd.s32 v20, v30  }
0x12e: {  	v26 =	vand.u32 $0x1, v25;
	v20 =	vand.u32 $0x1010101, v25;
	v29 =	vld [tilespmem:s28+$0xC200];
	v32 =	vand.u32 $0x1010101, v24  }
0x12f: {  	v34 =	vand.u32 $0x100, v25;
	v35 =	vand.u32 $0x10000, v25;
	v25 =	vand.u32 $0x1000000, v25;
	v33 =	vld [tilespmem:s28+$0xC280]  }
0x130: {  	v36 =	vand.u32 $0x1, v24;
	v37 =	vand.u32 $0x100, v24;
	v38 =	vand.u32 $0x10000, v24;
	v39 =	vld [tilespmem:s28+$0xC300]  }
0x131: {  	s5 =	sand.u32 $0x7FFFFC00, s0;
	s1 =	sadd.s32 $0x10, s1;
	v24 =	vand.u32 $0x1000000, v24;
	vm0 =	veq.s32 v26, $0x0;
	vm1 =	veq.s32 v34, $0x0;
	v40 =	vld [tilespmem:s28+$0xC380]  }
0x132: {  	s14 =	sand.u32 $0x70, s1;
	s21 =	sshrl.u32 s5, $0x2;
	vm3 =	veq.s32 v35, $0x0;
	vm4 =	veq.s32 v25, $0x0;
	vm2 =	veq.s32 v36, $0x0;
	v34 =	vld [tilespmem:s28+$0xE380]  }
0x133: {  	s21 =	sor.u32 s14, s21;
	vm5 =	veq.s32 v37, $0x0;
	vm6 =	veq.s32 v38, $0x0;
	vm7 =	veq.s32 v24, $0x0  }
.Ltmp9:
0x134: {  	v35 =	vsel vm0, $0x0, v22;
	v36 =	vsel vm1, $0x0, v23;
	v26 =	vsel vm3, $0x0, v31;
	v25 =	vld [tilespmem:s21+$0x13880];
	(pc) =	sbr.rel @p1 .LBB2_17-.Ltmp9, $4  }
0x135: {  	v22 =	vsel vm2, $0x0, v29;
	v23 =	vsel vm5, $0x0, v33;
	v24 =	vld [tilespmem:s21+$0x13080];
	v29 =	vsel vm6, $0x0, v39  }
0x136: {  	s28 =	sor.u32 s14, s5;
	v18 =	vadd.f32 v22, v18;
	v21 =	vadd.f32 v23, v21;
	v23 =	vsel vm7, $0x0, v40  }
0x137: {  	v27 =	vadd.f32 v29, v27;
	v22 =	vld [tilespmem:s28+$0xE200];
	v28 =	vadd.f32 v23, v28;
	v29 =	vsel vm4, $0x0, v34  }
0x138: {  	s0 =	sadd.s32 $0x80, s0;
	v30 =	vadd.s32 v30, v32;
	v18 =	vadd.f32 v35, v18;
	v21 =	vadd.f32 v36, v21;
	v23 =	vld [tilespmem:s28+$0xE280]  }
0x139: {  	v26 =	vadd.f32 v26, v27  }
0x13a: {  	v37 =	vadd.f32 v29, v28;
	v20 =	vadd.s32 v20, v30;
	v11 =	vadd.s32 v15, v11  }
0x13b: {  	v39 =	vand.u32 $0x1, v25;
	v40 =	vand.u32 $0x1010101, v25;
	v10 =	vadd.s32 v10, v11  }
0x13c: {  	v41 =	vand.u32 $0x100, v25;
	v42 =	vand.u32 $0x10000, v25;
	v10 =	vadd.s32 v12, v10  }
0x13d: {  	v43 =	vand.u32 $0x1000000, v25;
	v52 =	vshrl.u32 v16, $0x18;
	v10 =	vadd.s32 v13, v10  }
0x13e: {  	v53 =	vshrl.u32 v16, $0x10;
	v55 =	vshrl.u32 v17, $0x8;
	v10 =	vadd.s32 v14, v10  }
0x13f: {  	v56 =	vshrl.u32 v17, $0x18;
	v57 =	vshrl.u32 v17, $0x10;
	v8 =	vadd.s32 v8, v10  }
0x140: {  	v58 =	vand.u32 $0xFF, v19;
	v59 =	vshrl.u32 v19, $0x8;
	v6 =	vadd.s32 v6, v8  }
0x141: {  	v60 =	vshrl.u32 v19, $0x18;
	v61 =	vshrl.u32 v19, $0x10;
	v6 =	vadd.s32 v7, v6  }
0x142: {  	v38 =	vand.u32 $0x1010101, v24;
	v45 =	vand.u32 $0x1, v24;
	v6 =	vadd.s32 v9, v6  }
0x143: {  	v31 =	vand.u32 $0x100, v24;
	v32 =	vand.u32 $0x10000, v24;
	v7 =	vld [tilespmem:s28+$0xC380];
	v2 =	vadd.s32 v2, v6  }
0x144: {  	v47 =	vand.u32 $0x1000000, v24;
	vm1 =	veq.s32 v39, $0x0;
	v2 =	vadd.s32 v3, v2  }
0x145: {  	vm2 =	veq.s32 v41, $0x0;
	vm4 =	veq.s32 v42, $0x0;
	v2 =	vadd.s32 v4, v2  }
0x146: {  	vm0 =	veq.s32 v43, $0x0;
	v54 =	vand.u32 $0xFF, v53;
	v2 =	vadd.s32 v5, v2  }
0x147: {  	v46 =	vld [tilespmem:s28+$0xC200];
	vm3 =	veq.s32 v45, $0x0;
	vm7 =	veq.s32 v47, $0x0;
	v0 =	vadd.s32 v0, v2  }
0x148: {  	v49 =	vld [tilespmem:s28+$0xC300];
	v2 =	vsel vm7, $0x0, v7;
	v7 =	vand.u32 $0xFF, v16;
	v0 =	vadd.s32 v1, v0  }
0x149: {  	vm5 =	veq.s32 v31, $0x0;
	v1 =	vshrl.u32 v16, $0x8;
	v0 =	vadd.s32 v7, v0  }
0x14a: {  	v44 =	vld [tilespmem:s28+$0xE300];
	vm6 =	veq.s32 v32, $0x0;
	v1 =	vand.u32 $0xFF, v1;
	v0 =	vadd.s32 v52, v0  }
0x14b: {  	v48 =	vld [tilespmem:s28+$0xC280];
	v12 =	vand.u32 $0xFF, v61;
	v50 =	vsel vm2, $0x0, v23;
	v0 =	vadd.s32 v1, v0  }
0x14c: {  	v51 =	vsel vm3, $0x0, v46;
	v1 =	vand.u32 $0xFF, v17;
	v0 =	vadd.s32 v54, v0  }
0x14d: {  	v10 =	vand.u32 $0xFF, v57;
	v8 =	vsel vm6, $0x0, v49;
	v0 =	vadd.s32 v1, v0  }
0x14e: {  	v8 =	vadd.f32 v8, v26;
	v7 =	vld [tilespmem:s28+$0xE380];
	v1 =	vand.u32 $0xFF, v55;
	v0 =	vadd.s32 v56, v0  }
0x14f: {  	v6 =	vsel vm1, $0x0, v22;
	v3 =	vsel vm4, $0x0, v44;
	v0 =	vadd.s32 v1, v0  }
0x150: {  	v4 =	vsel vm5, $0x0, v48;
	v5 =	vadd.f32 v51, v18;
	v0 =	vadd.s32 v10, v0  }
0x151: {  	v4 =	vadd.f32 v4, v21;
	v2 =	vadd.f32 v2, v37;
	v0 =	vadd.s32 v58, v0  }
0x152: {  	v1 =	vadd.s32 v20, v38;
	v10 =	vand.u32 $0xFF, v59;
	v0 =	vadd.s32 v60, v0  }
0x153: {  	v7 =	vsel vm0, $0x0, v7;
	v11 =	vadd.s32 v40, v1;
	v0 =	vadd.s32 v10, v0  }
.Ltmp10:
0x154: {  	v1 =	vadd.f32 v6, v5;
	v5 =	vand.u32 $0xFF, v11;
	v0 =	vadd.s32 v12, v0;
	(pc) =	sbr.rel @p0 .LBB2_20-.Ltmp10, $4  }
0x155: {  	v6 =	vshrl.u32 v11, $0x8;
	v62 =	vshrl.u32 v11, $0x18;
	v0 =	vadd.s32 v5, v0  }
0x156: {  	v11 =	vshrl.u32 v11, $0x10;
	v6 =	vand.u32 $0xFF, v6;
	v0 =	vadd.s32 v62, v0  }
0x157: {  	v63 =	vand.u32 $0xFF, v11;
	v5 =	vadd.f32 v50, v4;
	v0 =	vadd.s32 v6, v0  }
0x158: {  	v2 =	vadd.f32 v7, v2;
	v4 =	vadd.f32 v3, v8;
	v0 =	vadd.s32 v63, v0  }
0x159: {  	s0 =	sadd.s32 s26, s10  }
.Ltmp11:
0x15a: {  	s1 =	sshll.u32 s0, $0x9;
	(pc) =	sbr.rel .LBB2_2-.Ltmp11, $4  }
0x15b: {  	s0 =	sshll.u32 s0, $0x7;
	s1 =	sadd.s32 s2, s1  }
0x15c: {  	[tilespmem:s15], [sflag:$0x2] =	stream.linear.gather [hbm4b:s1+s4], $0x8000, $0x38;
	[tilespmem:$0x14100] =	vst v63  }
0x15d: {  	s25 =	sadd.s32 $0x1, s25;
	s0 =	sadd.s32 s3, s0  }
0x15e: {  	[tilespmem:s16], [sflag:$0x4] =	stream.linear.gather [hbm4b:s0+s4], $0x2000, $0x38;
	[tilespmem:$0x14100] =	vst v63  }
.LBB2_21:
0x15f: {  	_ =	sfence.sel $0x180000  }
0x160: {  	[bflag:$0x0] =	sbarrier.arrive $0xFFFF  }
0x161: {  	_ =	strace $0x90000047  }
0x162: {  	s0 =	stileid.u32;
	[bflag:$0x2] =	sbarrier.arrive $0xFFFF  }
0x163: {  	p0 =	sne.s32 s0, $0x0;
	s0 =	rddreg [dreg:$0x2]  }
0x164: {  	s0 =	sadd.s32 @!p0 $0x100000, s0  }
0x165: {  	[sflag:s0] =	ssyncadd.tile.s32 @!p0 $0x1;
	_ =	shalt  }
.Lfunc_end2:
_tile_overlayer_lowered:
.L_overlay_start_2:
0x166: {  	(tag) =	ssettag $0x2  }
0x167: {  	s0 =	rddreg [dreg:$0x0];
	s2 =	stileid.u32  }
0x168: {  	s1 =	rddreg [dreg:$0x1];
	p0 =	sne.s32 s2, $0x0  }
0x169: {  	s3 =	rddreg [dreg:$0x2];
	[bflag:$0x3] =	sbarrier.arrive $0xFFFF;
	s2 =	simm.s32 @!p0 $0x1C05  }
0x16a: {  	[timem:s3], [sflag:s2] =	dma.local @!p0 [hbm:s0], s1  }
0x16b: {  	s0 =	simm.s32 @!p0 $0x5  }
0x16c: {  	_ =	swait.ge @!p0 [sflag:s0], s1  }
0x16d: {  	s1 =	ssub.s32 @!p0 $0x0, s1;
	[sflag:s0] =	ssyncset.done @!p0 $0x0  }
0x16e: {  	[sflag:s0] =	ssyncadd.s32 @!p0 s1  }
0x16f: {  	[bflag:$0x3] =	sbarrier.arrive $0xFFFF  }
0x170: {  	_ =	shalt  }

</sc_bundles>
